<compile_context>
chip_gen: v7x
topology: tpu7x:2x2x1
jax: 0.10.2.dev20260603
libtpu: 0.0.44.dev20260713+nightly
codegen_flags: <defaults>
</compile_context>

<pallas_src>
import functools

import jax
import jax.numpy as jnp
from jax import lax
from jax.experimental import pallas as pl
from jax.experimental.pallas import tpu as pltpu
from jax.experimental.pallas import tpu_sc as plsc

_VOCAB = 100000
_EMB_D = 200
_EMB_DP = 256
_B, _L = 16, 512
_N = 10000
_E = 320000
_F = 128
_C = 384

_NC, _NS = 2, 16
_NW = _NC * _NS
_CHUNK = 128
_K0, _K1 = 96, 64
_NCHUNKS = _NS * (_K0 + _K1)
_NROWS_IDX = _NCHUNKS + _K0 - _K1
_E_PAD = _NROWS_IDX * _CHUNK
_ACC_ROWS = 10240
_ZROWS = _ACC_ROWS // _NS

_IDS = _B * _L
_K_EMB = _IDS // (_NW * _CHUNK)


@functools.partial(
    pl.kernel,
    out_type=jax.ShapeDtypeStruct((_IDS, _EMB_DP), jnp.float32),
    mesh=plsc.VectorSubcoreMesh(core_axis_name="c", subcore_axis_name="s"),
    scratch_types=[
        pltpu.VMEM((_K_EMB, _CHUNK), jnp.int32),
        pltpu.VMEM((_CHUNK, _EMB_DP), jnp.float32),
        pltpu.SemaphoreType.DMA,
    ],
)
def _sc_embed(emb_hbm, ids_hbm, out_hbm, ids_v, rows_v, sem):
    wid = lax.axis_index("c") * _NS + lax.axis_index("s")
    pltpu.sync_copy(ids_hbm.at[wid], ids_v)
    for j in range(_K_EMB):
        pltpu.async_copy(emb_hbm.at[ids_v.at[j]], rows_v, sem).wait()
        pltpu.sync_copy(
            rows_v, out_hbm.at[pl.ds(wid * (_K_EMB * _CHUNK) + j * _CHUNK, _CHUNK)])


@functools.partial(
    pl.kernel,
    out_type=jax.ShapeDtypeStruct((_NC, _ACC_ROWS, _F), jnp.float32),
    mesh=plsc.VectorSubcoreMesh(core_axis_name="c", subcore_axis_name="s"),
    scratch_types=[
        pltpu.VMEM((_K0, _CHUNK), jnp.int32),
        pltpu.VMEM((_K0, _CHUNK), jnp.int32),
        pltpu.VMEM((_CHUNK, _F), jnp.float32),
        pltpu.VMEM_SHARED((_ACC_ROWS, _F), jnp.float32),
        pltpu.SemaphoreType.DMA,
    ],
)
def _sc_segsum(x_hbm, src_hbm, dst_hbm, zeros_hbm, out_hbm,
               src_v, dst_v, rows_v, acc_sh, sem):
    cid = lax.axis_index("c")
    sid = lax.axis_index("s")
    base = (1 - cid) * sid * _K0 + cid * (_NS * _K0 + sid * _K1)
    pltpu.sync_copy(src_hbm.at[pl.ds(base, _K0)], src_v)
    pltpu.sync_copy(dst_hbm.at[pl.ds(base, _K0)], dst_v)
    pltpu.sync_copy(zeros_hbm, acc_sh.at[pl.ds(sid * _ZROWS, _ZROWS)])
    plsc.subcore_barrier()

    def body(j, carry):
        pltpu.async_copy(x_hbm.at[src_v.at[j]], rows_v, sem).wait()
        pltpu.sync_copy(rows_v, acc_sh.at[dst_v.at[j]], add=True)
        return carry

    @pl.when(cid == 0)
    def _():
        lax.fori_loop(0, _K0, body, 0)

    @pl.when(cid == 1)
    def _():
        lax.fori_loop(0, _K1, body, 0)

    plsc.subcore_barrier()
    pltpu.sync_copy(acc_sh.at[pl.ds(sid * _ZROWS, _ZROWS)],
                    out_hbm.at[cid, pl.ds(sid * _ZROWS, _ZROWS)])


def _tc_conv_body(e_ref, w_ref, b3_ref, b4_ref, b5_ref, out_ref):
    y = jnp.dot(e_ref[0], w_ref[...], preferred_element_type=jnp.float32)
    c3 = y[0:510, 0:128] + y[1:511, 128:256] + y[2:512, 256:384]
    m3 = jnp.max(c3, axis=0, keepdims=True) + b3_ref[...]
    c4 = (y[0:509, 384:512] + y[1:510, 512:640]
          + y[2:511, 640:768] + y[3:512, 768:896])
    m4 = jnp.max(c4, axis=0, keepdims=True) + b4_ref[...]
    c5 = (y[0:508, 896:1024] + y[1:509, 1024:1152] + y[2:510, 1152:1280]
          + y[3:511, 1280:1408] + y[4:512, 1408:1536])
    m5 = jnp.max(c5, axis=0, keepdims=True) + b5_ref[...]
    row = jnp.maximum(jnp.concatenate([m3, m4, m5], axis=1), 0.0)
    mx = jnp.max(row, axis=1, keepdims=True)
    ls = row - mx - jnp.log(jnp.sum(jnp.exp(row - mx), axis=1, keepdims=True))
    out_ref[pl.ds(pl.program_id(0), 1), :] = ls


def _tc_conv(e, wcat, b3, b4, b5):
    return pl.pallas_call(
        _tc_conv_body,
        grid=(_B,),
        in_specs=[
            pl.BlockSpec((1, _L, _EMB_DP), lambda b: (b, 0, 0)),
            pl.BlockSpec((_EMB_DP, 1536), lambda b: (0, 0)),
            pl.BlockSpec((1, 128), lambda b: (0, 0)),
            pl.BlockSpec((1, 128), lambda b: (0, 0)),
            pl.BlockSpec((1, 128), lambda b: (0, 0)),
        ],
        out_specs=pl.BlockSpec((_B, _C), lambda b: (0, 0)),
        out_shape=jax.ShapeDtypeStruct((_B, _C), jnp.float32),
    )(e, wcat, b3, b4, b5)


def _tc_pad_body(x_ref, o_ref):
    o_ref[...] = jnp.concatenate(
        [x_ref[...], jnp.zeros((x_ref.shape[0], _EMB_DP - _EMB_D),
                               jnp.float32)], axis=1)


def _tc_pad_emb(emb, rows_blk=2000):
    return pl.pallas_call(
        _tc_pad_body,
        grid=(_VOCAB // rows_blk,),
        in_specs=[pl.BlockSpec((rows_blk, _EMB_D), lambda i: (i, 0))],
        out_specs=pl.BlockSpec((rows_blk, _EMB_DP), lambda i: (i, 0)),
        out_shape=jax.ShapeDtypeStruct((_VOCAB, _EMB_DP), jnp.float32),
    )(emb)


def _tc_matmul_body(x_ref, w_ref, o_ref):
    o_ref[...] = jnp.dot(x_ref[...], w_ref[...],
                         preferred_element_type=jnp.float32)


def _tc_matmul(x, w, rows_blk):
    n, d = x.shape
    return pl.pallas_call(
        _tc_matmul_body,
        grid=(n // rows_blk,),
        in_specs=[
            pl.BlockSpec((rows_blk, d), lambda i: (i, 0)),
            pl.BlockSpec(w.shape, lambda i: (0, 0)),
        ],
        out_specs=pl.BlockSpec((rows_blk, w.shape[1]), lambda i: (i, 0)),
        out_shape=jax.ShapeDtypeStruct((n, w.shape[1]), jnp.float32),
    )(x, w)


def _tc_relu_body(a_ref, b_ref, bias_ref, o_ref):
    o_ref[...] = jnp.maximum(a_ref[0] + b_ref[0] + bias_ref[...], 0.0)


def _tc_relu_combine(p, bias, rows_blk, n=_N):
    d = p.shape[2]
    return pl.pallas_call(
        _tc_relu_body,
        grid=(n // rows_blk,),
        in_specs=[
            pl.BlockSpec((1, rows_blk, d), lambda i: (0, i, 0)),
            pl.BlockSpec((1, rows_blk, d), lambda i: (1, i, 0)),
            pl.BlockSpec((1, d), lambda i: (0, 0)),
        ],
        out_specs=pl.BlockSpec((rows_blk, d), lambda i: (i, 0)),
        out_shape=jax.ShapeDtypeStruct((n, d), jnp.float32),
    )(p, p, bias)


def _tc_final_body(a_ref, b_ref, w_ref, bias_ref, o_ref):
    s = a_ref[0] + b_ref[0]
    y = jnp.dot(s, w_ref[...], preferred_element_type=jnp.float32) + bias_ref[...]
    mx = jnp.max(y, axis=1, keepdims=True)
    o_ref[...] = y - mx - jnp.log(
        jnp.sum(jnp.exp(y - mx), axis=1, keepdims=True))


def _tc_final(p, w, bias, rows_blk, n=_N):
    d = p.shape[2]
    return pl.pallas_call(
        _tc_final_body,
        grid=(n // rows_blk,),
        in_specs=[
            pl.BlockSpec((1, rows_blk, d), lambda i: (0, i, 0)),
            pl.BlockSpec((1, rows_blk, d), lambda i: (1, i, 0)),
            pl.BlockSpec(w.shape, lambda i: (0, 0)),
            pl.BlockSpec((1, w.shape[1]), lambda i: (0, 0)),
        ],
        out_specs=pl.BlockSpec((rows_blk, w.shape[1]), lambda i: (i, 0)),
        out_shape=jax.ShapeDtypeStruct((n, w.shape[1]), jnp.float32),
    )(p, p, w, bias)


def kernel(input_seq, edge_index, features, emb, W3, b3, W4, b4, W5, b5,
           Wg1, bg1, Wg2, bg2):
    f32 = jnp.float32
    ids = input_seq.astype(jnp.int32).reshape(_NW, _K_EMB, _CHUNK)
    src = edge_index[0].astype(jnp.int32)
    dst = edge_index[1].astype(jnp.int32)
    src_p = jnp.pad(src, (0, _E_PAD - _E)).reshape(_NROWS_IDX, _CHUNK)
    dst_p = jnp.pad(dst, (0, _E_PAD - _E),
                    constant_values=_N).reshape(_NROWS_IDX, _CHUNK)
    zeros = jnp.zeros((_ZROWS, _F), f32)
    w3t = jnp.transpose(W3[:, 0], (1, 2, 0))
    w4t = jnp.transpose(W4[:, 0], (1, 2, 0))
    w5t = jnp.transpose(W5[:, 0], (1, 2, 0))
    wcat = jnp.concatenate([w3t, w4t, w5t], axis=0)
    wcat = jnp.transpose(wcat, (1, 0, 2)).reshape(_EMB_D, 12 * 128)
    wcat = jnp.pad(wcat, ((0, _EMB_DP - _EMB_D), (0, 0)))
    emb_p = _tc_pad_emb(emb)

    e_rows = _sc_embed(emb_p, ids)
    e = e_rows.reshape(_B, _L, _EMB_DP)
    x_lsm = _tc_conv(e, wcat, b3.reshape(1, 128), b4.reshape(1, 128),
                     b5.reshape(1, 128))

    fw1 = _tc_matmul(features, Wg1, 1000)
    s1 = _sc_segsum(fw1, src_p, dst_p, zeros)
    h = _tc_relu_combine(s1, bg1.reshape(1, _F), 1000)

    s2 = _sc_segsum(h, src_p, dst_p, zeros)
    lbl_lsm = _tc_final(s2, Wg2, bg2.reshape(1, _C), 400)

    return jnp.concatenate([x_lsm, lbl_lsm], axis=0)

# --- scband reference (transcript-rebuilt; emitter-appended) ---
"""Pipeline reference for scband-me-sh-gcn-55473797595784 (READ-ONLY COPY).

The authoritative reference and input builder live on the scoring server;
editing this copy changes nothing except your own understanding.
"""

import jax, jax.numpy as jnp
import numpy as np

VOCAB = 100000
EMB_DIM = 200
NKERNEL = 128
KSZ = (3, 4, 5)
NODE_FEATS = 128
HIDDEN_GCN = 128
NUM_CLASSES = 384
N_NODES = 10000
N_EDGES = 320000
B, L = 16, 512


def setup_inputs(seed: int = 0):
    key = jax.random.key(seed)
    ks = jax.random.split(key, 16)
    input_seq = jax.random.randint(ks[0], (B, L), 0, VOCAB)
    edge_index = jax.random.randint(ks[1], (2, N_EDGES), 0, N_NODES)
    features = jax.random.normal(ks[2], (N_NODES, NODE_FEATS), dtype=jnp.float32)
    emb = jax.random.normal(ks[3], (VOCAB, EMB_DIM), dtype=jnp.float32) * 0.02
    W3 = jax.random.normal(ks[4], (NKERNEL, 1, 3, EMB_DIM), dtype=jnp.float32) * 0.02
    b3 = jnp.zeros((NKERNEL,), dtype=jnp.float32)
    W4 = jax.random.normal(ks[5], (NKERNEL, 1, 4, EMB_DIM), dtype=jnp.float32) * 0.02
    b4 = jnp.zeros((NKERNEL,), dtype=jnp.float32)
    W5 = jax.random.normal(ks[6], (NKERNEL, 1, 5, EMB_DIM), dtype=jnp.float32) * 0.02
    b5 = jnp.zeros((NKERNEL,), dtype=jnp.float32)
    Wg1 = jax.random.normal(ks[7], (NODE_FEATS, HIDDEN_GCN), dtype=jnp.float32) * (1.0 / np.sqrt(NODE_FEATS))
    bg1 = jnp.zeros((HIDDEN_GCN,), dtype=jnp.float32)
    Wg2 = jax.random.normal(ks[8], (HIDDEN_GCN, NUM_CLASSES), dtype=jnp.float32) * (1.0 / np.sqrt(HIDDEN_GCN))
    bg2 = jnp.zeros((NUM_CLASSES,), dtype=jnp.float32)
    return {"input_seq": input_seq, "edge_index": edge_index, "features": features,
            "emb": emb, "W3": W3, "b3": b3, "W4": W4, "b4": b4, "W5": W5, "b5": b5,
            "Wg1": Wg1, "bg1": bg1, "Wg2": Wg2, "bg2": bg2}


def _conv_block(x, W, b):
    # x: [B, 1, L, D], W: [nK, 1, k, D] -> [B, nK, L-k+1, 1]
    out = jax.lax.conv_general_dilated(
        x, W, window_strides=(1, 1), padding="VALID",
        dimension_numbers=("NCHW", "OIHW", "NCHW"))
    out = out + b[None, :, None, None]
    out = jax.nn.relu(out)
    out = jnp.squeeze(out, axis=3)          # [B, nK, L-k+1]
    out = jnp.max(out, axis=2)              # max_pool1d over full length -> [B, nK]
    return out


def _gcn_layer(edge_index, feat, W, b):
    src = edge_index[0]
    dst = edge_index[1]
    msg = feat[src]                          # copy_src gather: [E, d]
    h = jax.ops.segment_sum(msg, dst, num_segments=feat.shape[0])  # sum reduce
    return h @ W + b


def reference(input_seq, edge_index, features, emb, W3, b3, W4, b4, W5, b5, Wg1, bg1, Wg2, bg2):
    # ContentsExtractor
    e = emb[input_seq]                       # [B, L, D] embedding lookup
    e = e[:, None, :, :]                     # unsqueeze(1) -> [B, 1, L, D]
    x3 = _conv_block(e, W3, b3)
    x4 = _conv_block(e, W4, b4)
    x5 = _conv_block(e, W5, b5)
    x_feature = jnp.concatenate([x3, x4, x5], axis=1)   # [B, nK*3]
    # LabelNet (2-layer GCN)
    h = _gcn_layer(edge_index, features, Wg1, bg1)
    h = jax.nn.relu(h)
    label_feature = _gcn_layer(edge_index, h, Wg2, bg2)  # [N, num_classes]
    # concat + dropout (eval/identity) + log_softmax
    concat = jnp.concatenate([x_feature, label_feature], axis=0)
    return jax.nn.log_softmax(concat, axis=1)

if __name__ == "__main__":
    import jax
    _d = setup_inputs()
    print(jax.jit(kernel)(*tuple(_d.values())))

</pallas_src>

<mosaic_0001>
#map = affine_map<(d0, d1) -> (0, 0)>
#map1 = affine_map<(d0, d1) -> (0, 0, 0)>
module attributes {stable_mosaic.version = 14 : i64} {
  func.func @_sc_segsum(%arg0: i32, %arg1: i32, %arg2: memref<10000x128xf32, #tpu.memory_space<hbm>>, %arg3: memref<2592x128xi32, #tpu.memory_space<hbm>>, %arg4: memref<2592x128xi32, #tpu.memory_space<hbm>>, %arg5: memref<640x128xf32, #tpu.memory_space<hbm>>, %arg6: memref<2x10240x128xf32, #tpu.memory_space<hbm>>, %arg7: memref<96x128xi32, #tpu.memory_space<vmem>>, %arg8: memref<96x128xi32, #tpu.memory_space<vmem>>, %arg9: memref<128x128xf32, #tpu.memory_space<vmem>>, %arg10: memref<10240x128xf32, #tpu.memory_space<vmem_shared>>, %arg11: memref<!tpu.dma_semaphore, #tpu.memory_space<semaphore_mem>>) attributes {dimension_semantics = [#tpu.dimension_semantics<core_parallel>, #tpu.dimension_semantics<subcore_parallel>], iteration_bounds = array<i64: 2, 16>, scalar_prefetch = 0 : i64, scratch_operands = 5 : i64, tpu.core_type = #tpu.core_type<sc_vector_subcore>, window_params = [{transform_indices = #map}, {transform_indices = #map}, {transform_indices = #map}, {transform_indices = #map}, {transform_indices = #map1}]} {
    %sub3A = arith.constant 1 : i32
    %sub3A_0 = arith.subi %sub3A, %arg0 : i32
    %mul3A = arith.muli %sub3A_0, %arg1 : i32
    %mul3A_1 = arith.constant 96 : i32
    %mul3A_2 = arith.muli %mul3A, %mul3A_1 : i32
    %mul3A_3 = arith.constant 64 : i32
    %mul3A_4 = arith.muli %arg1, %mul3A_3 : i32
    %add3A = arith.constant 1536 : i32
    %add3A_5 = arith.addi %add3A, %mul3A_4 : i32
    %mul3A_6 = arith.muli %arg0, %add3A_5 : i32
    %add3A_7 = arith.addi %mul3A_2, %mul3A_6 : i32
    "tpu.region"() ({
      %run_scoped3A = tpu.sem_alloc : memref<!tpu.dma_semaphore, #tpu.memory_space<semaphore_mem>>
      %dma_start3A = arith.constant 0 : i32
      %dma_start3A_22 = tpu.memref_slice %arg3[%add3A_7, %dma_start3A] : memref<2592x128xi32, #tpu.memory_space<hbm>> -> memref<96x128xi32, #tpu.memory_space<hbm>>
      %dma_start3A_23 = arith.constant 0 : i32
      %dma_start3A_24 = tpu.memref_slice %arg3[%add3A_7, %dma_start3A_23] : memref<2592x128xi32, #tpu.memory_space<hbm>> -> memref<96x128xi32, #tpu.memory_space<hbm>>
      tpu.enqueue_dma source(%dma_start3A_24 : memref<96x128xi32, #tpu.memory_space<hbm>>) target(%arg7 : memref<96x128xi32, #tpu.memory_space<vmem>>) target_semaphore(%run_scoped3A : memref<!tpu.dma_semaphore, #tpu.memory_space<semaphore_mem>>)
      %dma_wait3A = arith.constant 0 : i32
      %dma_wait3A_25 = tpu.memref_slice %arg3[%add3A_7, %dma_wait3A] : memref<2592x128xi32, #tpu.memory_space<hbm>> -> memref<96x128xi32, #tpu.memory_space<hbm>>
      %dma_wait3A_26 = arith.constant 0 : i32
      %dma_wait3A_27 = tpu.memref_slice %arg3[%add3A_7, %dma_wait3A_26] : memref<2592x128xi32, #tpu.memory_space<hbm>> -> memref<96x128xi32, #tpu.memory_space<hbm>>
      tpu.wait_dma2 semaphore(%run_scoped3A : memref<!tpu.dma_semaphore, #tpu.memory_space<semaphore_mem>>) src(%dma_wait3A_27 : memref<96x128xi32, #tpu.memory_space<hbm>>) dst(%arg7 : memref<96x128xi32, #tpu.memory_space<vmem>>)
      tpu.yield
    }) : () -> ()
    "tpu.region"() ({
      %run_scoped3A = tpu.sem_alloc : memref<!tpu.dma_semaphore, #tpu.memory_space<semaphore_mem>>
      %dma_start3A = arith.constant 0 : i32
      %dma_start3A_22 = tpu.memref_slice %arg4[%add3A_7, %dma_start3A] : memref<2592x128xi32, #tpu.memory_space<hbm>> -> memref<96x128xi32, #tpu.memory_space<hbm>>
      %dma_start3A_23 = arith.constant 0 : i32
      %dma_start3A_24 = tpu.memref_slice %arg4[%add3A_7, %dma_start3A_23] : memref<2592x128xi32, #tpu.memory_space<hbm>> -> memref<96x128xi32, #tpu.memory_space<hbm>>
      tpu.enqueue_dma source(%dma_start3A_24 : memref<96x128xi32, #tpu.memory_space<hbm>>) target(%arg8 : memref<96x128xi32, #tpu.memory_space<vmem>>) target_semaphore(%run_scoped3A : memref<!tpu.dma_semaphore, #tpu.memory_space<semaphore_mem>>)
      %dma_wait3A = arith.constant 0 : i32
      %dma_wait3A_25 = tpu.memref_slice %arg4[%add3A_7, %dma_wait3A] : memref<2592x128xi32, #tpu.memory_space<hbm>> -> memref<96x128xi32, #tpu.memory_space<hbm>>
      %dma_wait3A_26 = arith.constant 0 : i32
      %dma_wait3A_27 = tpu.memref_slice %arg4[%add3A_7, %dma_wait3A_26] : memref<2592x128xi32, #tpu.memory_space<hbm>> -> memref<96x128xi32, #tpu.memory_space<hbm>>
      tpu.wait_dma2 semaphore(%run_scoped3A : memref<!tpu.dma_semaphore, #tpu.memory_space<semaphore_mem>>) src(%dma_wait3A_27 : memref<96x128xi32, #tpu.memory_space<hbm>>) dst(%arg8 : memref<96x128xi32, #tpu.memory_space<vmem>>)
      tpu.yield
    }) : () -> ()
    %mul3A_8 = arith.constant 640 : i32
    %mul3A_9 = arith.muli %arg1, %mul3A_8 : i32
    "tpu.region"() ({
      %run_scoped3A = tpu.sem_alloc : memref<!tpu.dma_semaphore, #tpu.memory_space<semaphore_mem>>
      %dma_start3A = arith.constant 0 : i32
      %dma_start3A_22 = tpu.memref_slice %arg10[%mul3A_9, %dma_start3A] : memref<10240x128xf32, #tpu.memory_space<vmem_shared>> -> memref<640x128xf32, #tpu.memory_space<vmem_shared>>
      tpu.enqueue_dma source(%arg5 : memref<640x128xf32, #tpu.memory_space<hbm>>) target(%dma_start3A_22 : memref<640x128xf32, #tpu.memory_space<vmem_shared>>) target_semaphore(%run_scoped3A : memref<!tpu.dma_semaphore, #tpu.memory_space<semaphore_mem>>)
      %dma_wait3A = arith.constant 0 : i32
      %dma_wait3A_23 = tpu.memref_slice %arg10[%mul3A_9, %dma_wait3A] : memref<10240x128xf32, #tpu.memory_space<vmem_shared>> -> memref<640x128xf32, #tpu.memory_space<vmem_shared>>
      tpu.wait_dma2 semaphore(%run_scoped3A : memref<!tpu.dma_semaphore, #tpu.memory_space<semaphore_mem>>) src(%arg5 : memref<640x128xf32, #tpu.memory_space<hbm>>) dst(%dma_wait3A_23 : memref<640x128xf32, #tpu.memory_space<vmem_shared>>)
      tpu.yield
    }) : () -> ()
    %barrier3A = arith.constant 0 : index
    tpu.barrier barrier_id(%barrier3A)
    %eq3A = arith.constant 0 : i32
    %eq3A_10 = arith.cmpi eq, %arg0, %eq3A : i32
    %convert_element_type3A = arith.extui %eq3A_10 : i1 to i32
    %cond3A = arith.constant 0 : i32
    %cond3A_11 = arith.cmpi ne, %convert_element_type3A, %cond3A : i32
    scf.if %cond3A_11 {
      %scan3A = arith.constant 0 : i32
      %scan3A_22 = arith.constant 0 : i32
      %scan3A_23 = arith.constant 96 : i32
      %scan3A_24 = arith.addi %scan3A_22, %scan3A_23 : i32
      %scan3A_25 = arith.constant 1 : i32
      scf.for %scan3A_27 = %scan3A_22 to %scan3A_24 step %scan3A_25  : i32 {
        %dma_start3A = arith.constant 0 : i32
        %dma_start3A_28 = tpu.memref_slice %arg7[%scan3A_27, %dma_start3A] : memref<96x128xi32, #tpu.memory_space<vmem>> -> memref<1x128xi32, #tpu.memory_space<vmem>>
        %dma_start3A_29 = tpu.memref_squeeze %dma_start3A_28 : memref<1x128xi32, #tpu.memory_space<vmem>> -> memref<128xi32, #tpu.memory_space<vmem>>
        %dma_start3A_30 = arith.constant 0 : i32
        %dma_start3A_31 = arith.constant 0 : i32
        %dma_start3A_32 = tpu.memref_slice %arg2[%dma_start3A_30, %dma_start3A_31] : memref<10000x128xf32, #tpu.memory_space<hbm>> -> memref<10000x128xf32, #tpu.memory_space<hbm>>
        tpu.enqueue_indirect_dma source(%dma_start3A_32 : memref<10000x128xf32, #tpu.memory_space<hbm>>) target(%arg9 : memref<128x128xf32, #tpu.memory_space<vmem>>) offsets(%dma_start3A_29 : memref<128xi32, #tpu.memory_space<vmem>>) semaphore(%arg11 : memref<!tpu.dma_semaphore, #tpu.memory_space<semaphore_mem>>)
        %dma_wait3A = arith.constant 0 : i32
        %dma_wait3A_33 = tpu.memref_slice %arg7[%scan3A_27, %dma_wait3A] : memref<96x128xi32, #tpu.memory_space<vmem>> -> memref<1x128xi32, #tpu.memory_space<vmem>>
        %dma_wait3A_34 = tpu.memref_squeeze %dma_wait3A_33 : memref<1x128xi32, #tpu.memory_space<vmem>> -> memref<128xi32, #tpu.memory_space<vmem>>
        %dma_wait3A_35 = arith.constant 0 : i32
        %dma_wait3A_36 = arith.constant 0 : i32
        %dma_wait3A_37 = tpu.memref_slice %arg2[%dma_wait3A_35, %dma_wait3A_36] : memref<10000x128xf32, #tpu.memory_space<hbm>> -> memref<10000x128xf32, #tpu.memory_space<hbm>>
        tpu.wait_indirect_dma semaphore(%arg11 : memref<!tpu.dma_semaphore, #tpu.memory_space<semaphore_mem>>) src(%dma_wait3A_37 : memref<10000x128xf32, #tpu.memory_space<hbm>>) dst(%arg9 : memref<128x128xf32, #tpu.memory_space<vmem>>)
        "tpu.region"() ({
          %run_scoped3A = tpu.sem_alloc : memref<!tpu.dma_semaphore, #tpu.memory_space<semaphore_mem>>
          %dma_start3A_38 = arith.constant 0 : i32
          %dma_start3A_39 = tpu.memref_slice %arg8[%scan3A_27, %dma_start3A_38] : memref<96x128xi32, #tpu.memory_space<vmem>> -> memref<1x128xi32, #tpu.memory_space<vmem>>
          %dma_start3A_40 = tpu.memref_squeeze %dma_start3A_39 : memref<1x128xi32, #tpu.memory_space<vmem>> -> memref<128xi32, #tpu.memory_space<vmem>>
          %dma_start3A_41 = arith.constant 0 : i32
          %dma_start3A_42 = arith.constant 0 : i32
          %dma_start3A_43 = tpu.memref_slice %arg10[%dma_start3A_41, %dma_start3A_42] : memref<10240x128xf32, #tpu.memory_space<vmem_shared>> -> memref<10240x128xf32, #tpu.memory_space<vmem_shared>>
          tpu.enqueue_indirect_dma source(%arg9 : memref<128x128xf32, #tpu.memory_space<vmem>>) target(%dma_start3A_43 : memref<10240x128xf32, #tpu.memory_space<vmem_shared>>) offsets(%dma_start3A_40 : memref<128xi32, #tpu.memory_space<vmem>>) semaphore(%run_scoped3A : memref<!tpu.dma_semaphore, #tpu.memory_space<semaphore_mem>>) {add = true}
          %dma_wait3A_44 = arith.constant 0 : i32
          %dma_wait3A_45 = tpu.memref_slice %arg8[%scan3A_27, %dma_wait3A_44] : memref<96x128xi32, #tpu.memory_space<vmem>> -> memref<1x128xi32, #tpu.memory_space<vmem>>
          %dma_wait3A_46 = tpu.memref_squeeze %dma_wait3A_45 : memref<1x128xi32, #tpu.memory_space<vmem>> -> memref<128xi32, #tpu.memory_space<vmem>>
          %dma_wait3A_47 = arith.constant 0 : i32
          %dma_wait3A_48 = arith.constant 0 : i32
          %dma_wait3A_49 = tpu.memref_slice %arg10[%dma_wait3A_47, %dma_wait3A_48] : memref<10240x128xf32, #tpu.memory_space<vmem_shared>> -> memref<10240x128xf32, #tpu.memory_space<vmem_shared>>
          tpu.wait_indirect_dma semaphore(%run_scoped3A : memref<!tpu.dma_semaphore, #tpu.memory_space<semaphore_mem>>) src(%arg9 : memref<128x128xf32, #tpu.memory_space<vmem>>) dst(%dma_wait3A_49 : memref<10240x128xf32, #tpu.memory_space<vmem_shared>>)
          tpu.yield
        }) : () -> ()
      }
      %scan3A_26 = arith.constant 96 : i32
    } else {
    }
    %eq3A_12 = arith.constant 1 : i32
    %eq3A_13 = arith.cmpi eq, %arg0, %eq3A_12 : i32
    %convert_element_type3A_14 = arith.extui %eq3A_13 : i1 to i32
    %cond3A_15 = arith.constant 0 : i32
    %cond3A_16 = arith.cmpi ne, %convert_element_type3A_14, %cond3A_15 : i32
    scf.if %cond3A_16 {
      %scan3A = arith.constant 0 : i32
      %scan3A_22 = arith.constant 0 : i32
      %scan3A_23 = arith.constant 64 : i32
      %scan3A_24 = arith.addi %scan3A_22, %scan3A_23 : i32
      %scan3A_25 = arith.constant 1 : i32
      scf.for %scan3A_27 = %scan3A_22 to %scan3A_24 step %scan3A_25  : i32 {
        %dma_start3A = arith.constant 0 : i32
        %dma_start3A_28 = tpu.memref_slice %arg7[%scan3A_27, %dma_start3A] : memref<96x128xi32, #tpu.memory_space<vmem>> -> memref<1x128xi32, #tpu.memory_space<vmem>>
        %dma_start3A_29 = tpu.memref_squeeze %dma_start3A_28 : memref<1x128xi32, #tpu.memory_space<vmem>> -> memref<128xi32, #tpu.memory_space<vmem>>
        %dma_start3A_30 = arith.constant 0 : i32
        %dma_start3A_31 = arith.constant 0 : i32
        %dma_start3A_32 = tpu.memref_slice %arg2[%dma_start3A_30, %dma_start3A_31] : memref<10000x128xf32, #tpu.memory_space<hbm>> -> memref<10000x128xf32, #tpu.memory_space<hbm>>
        tpu.enqueue_indirect_dma source(%dma_start3A_32 : memref<10000x128xf32, #tpu.memory_space<hbm>>) target(%arg9 : memref<128x128xf32, #tpu.memory_space<vmem>>) offsets(%dma_start3A_29 : memref<128xi32, #tpu.memory_space<vmem>>) semaphore(%arg11 : memref<!tpu.dma_semaphore, #tpu.memory_space<semaphore_mem>>)
        %dma_wait3A = arith.constant 0 : i32
        %dma_wait3A_33 = tpu.memref_slice %arg7[%scan3A_27, %dma_wait3A] : memref<96x128xi32, #tpu.memory_space<vmem>> -> memref<1x128xi32, #tpu.memory_space<vmem>>
        %dma_wait3A_34 = tpu.memref_squeeze %dma_wait3A_33 : memref<1x128xi32, #tpu.memory_space<vmem>> -> memref<128xi32, #tpu.memory_space<vmem>>
        %dma_wait3A_35 = arith.constant 0 : i32
        %dma_wait3A_36 = arith.constant 0 : i32
        %dma_wait3A_37 = tpu.memref_slice %arg2[%dma_wait3A_35, %dma_wait3A_36] : memref<10000x128xf32, #tpu.memory_space<hbm>> -> memref<10000x128xf32, #tpu.memory_space<hbm>>
        tpu.wait_indirect_dma semaphore(%arg11 : memref<!tpu.dma_semaphore, #tpu.memory_space<semaphore_mem>>) src(%dma_wait3A_37 : memref<10000x128xf32, #tpu.memory_space<hbm>>) dst(%arg9 : memref<128x128xf32, #tpu.memory_space<vmem>>)
        "tpu.region"() ({
          %run_scoped3A = tpu.sem_alloc : memref<!tpu.dma_semaphore, #tpu.memory_space<semaphore_mem>>
          %dma_start3A_38 = arith.constant 0 : i32
          %dma_start3A_39 = tpu.memref_slice %arg8[%scan3A_27, %dma_start3A_38] : memref<96x128xi32, #tpu.memory_space<vmem>> -> memref<1x128xi32, #tpu.memory_space<vmem>>
          %dma_start3A_40 = tpu.memref_squeeze %dma_start3A_39 : memref<1x128xi32, #tpu.memory_space<vmem>> -> memref<128xi32, #tpu.memory_space<vmem>>
          %dma_start3A_41 = arith.constant 0 : i32
          %dma_start3A_42 = arith.constant 0 : i32
          %dma_start3A_43 = tpu.memref_slice %arg10[%dma_start3A_41, %dma_start3A_42] : memref<10240x128xf32, #tpu.memory_space<vmem_shared>> -> memref<10240x128xf32, #tpu.memory_space<vmem_shared>>
          tpu.enqueue_indirect_dma source(%arg9 : memref<128x128xf32, #tpu.memory_space<vmem>>) target(%dma_start3A_43 : memref<10240x128xf32, #tpu.memory_space<vmem_shared>>) offsets(%dma_start3A_40 : memref<128xi32, #tpu.memory_space<vmem>>) semaphore(%run_scoped3A : memref<!tpu.dma_semaphore, #tpu.memory_space<semaphore_mem>>) {add = true}
          %dma_wait3A_44 = arith.constant 0 : i32
          %dma_wait3A_45 = tpu.memref_slice %arg8[%scan3A_27, %dma_wait3A_44] : memref<96x128xi32, #tpu.memory_space<vmem>> -> memref<1x128xi32, #tpu.memory_space<vmem>>
          %dma_wait3A_46 = tpu.memref_squeeze %dma_wait3A_45 : memref<1x128xi32, #tpu.memory_space<vmem>> -> memref<128xi32, #tpu.memory_space<vmem>>
          %dma_wait3A_47 = arith.constant 0 : i32
          %dma_wait3A_48 = arith.constant 0 : i32
          %dma_wait3A_49 = tpu.memref_slice %arg10[%dma_wait3A_47, %dma_wait3A_48] : memref<10240x128xf32, #tpu.memory_space<vmem_shared>> -> memref<10240x128xf32, #tpu.memory_space<vmem_shared>>
          tpu.wait_indirect_dma semaphore(%run_scoped3A : memref<!tpu.dma_semaphore, #tpu.memory_space<semaphore_mem>>) src(%arg9 : memref<128x128xf32, #tpu.memory_space<vmem>>) dst(%dma_wait3A_49 : memref<10240x128xf32, #tpu.memory_space<vmem_shared>>)
          tpu.yield
        }) : () -> ()
      }
      %scan3A_26 = arith.constant 64 : i32
    } else {
    }
    %barrier3A_17 = arith.constant 0 : index
    tpu.barrier barrier_id(%barrier3A_17)
    %mul3A_18 = arith.constant 640 : i32
    %mul3A_19 = arith.muli %arg1, %mul3A_18 : i32
    %mul3A_20 = arith.constant 640 : i32
    %mul3A_21 = arith.muli %arg1, %mul3A_20 : i32
    "tpu.region"() ({
      %run_scoped3A = tpu.sem_alloc : memref<!tpu.dma_semaphore, #tpu.memory_space<semaphore_mem>>
      %dma_start3A = arith.constant 0 : i32
      %dma_start3A_22 = tpu.memref_slice %arg6[%arg0, %mul3A_21, %dma_start3A] : memref<2x10240x128xf32, #tpu.memory_space<hbm>> -> memref<1x640x128xf32, #tpu.memory_space<hbm>>
      %dma_start3A_23 = tpu.memref_squeeze %dma_start3A_22 : memref<1x640x128xf32, #tpu.memory_space<hbm>> -> memref<640x128xf32, #tpu.memory_space<hbm>>
      %dma_start3A_24 = arith.constant 0 : i32
      %dma_start3A_25 = tpu.memref_slice %arg10[%mul3A_19, %dma_start3A_24] : memref<10240x128xf32, #tpu.memory_space<vmem_shared>> -> memref<640x128xf32, #tpu.memory_space<vmem_shared>>
      tpu.enqueue_dma source(%dma_start3A_25 : memref<640x128xf32, #tpu.memory_space<vmem_shared>>) target(%dma_start3A_23 : memref<640x128xf32, #tpu.memory_space<hbm>>) target_semaphore(%run_scoped3A : memref<!tpu.dma_semaphore, #tpu.memory_space<semaphore_mem>>)
      %dma_wait3A = arith.constant 0 : i32
      %dma_wait3A_26 = tpu.memref_slice %arg6[%arg0, %mul3A_21, %dma_wait3A] : memref<2x10240x128xf32, #tpu.memory_space<hbm>> -> memref<1x640x128xf32, #tpu.memory_space<hbm>>
      %dma_wait3A_27 = tpu.memref_squeeze %dma_wait3A_26 : memref<1x640x128xf32, #tpu.memory_space<hbm>> -> memref<640x128xf32, #tpu.memory_space<hbm>>
      %dma_wait3A_28 = arith.constant 0 : i32
      %dma_wait3A_29 = tpu.memref_slice %arg10[%mul3A_19, %dma_wait3A_28] : memref<10240x128xf32, #tpu.memory_space<vmem_shared>> -> memref<640x128xf32, #tpu.memory_space<vmem_shared>>
      tpu.wait_dma2 semaphore(%run_scoped3A : memref<!tpu.dma_semaphore, #tpu.memory_space<semaphore_mem>>) src(%dma_wait3A_29 : memref<640x128xf32, #tpu.memory_space<vmem_shared>>) dst(%dma_wait3A_27 : memref<640x128xf32, #tpu.memory_space<hbm>>)
      tpu.yield
    }) : () -> ()
    return
  }
}

#map = affine_map<(d0, d1) -> (0, 0)>
#map1 = affine_map<(d0, d1) -> (0, 0, 0)>
module attributes {stable_mosaic.version = 14 : i64} {
  func.func @_sc_segsum(%arg0: i32, %arg1: i32, %arg2: memref<10000x128xf32, #tpu.memory_space<hbm>>, %arg3: memref<2592x128xi32, #tpu.memory_space<hbm>>, %arg4: memref<2592x128xi32, #tpu.memory_space<hbm>>, %arg5: memref<640x128xf32, #tpu.memory_space<hbm>>, %arg6: memref<2x10240x128xf32, #tpu.memory_space<hbm>>, %arg7: memref<96x128xi32, #tpu.memory_space<vmem>>, %arg8: memref<96x128xi32, #tpu.memory_space<vmem>>, %arg9: memref<128x128xf32, #tpu.memory_space<vmem>>, %arg10: memref<10240x128xf32, #tpu.memory_space<vmem_shared>>, %arg11: memref<!tpu.dma_semaphore, #tpu.memory_space<semaphore_mem>>) attributes {dimension_semantics = [#tpu.dimension_semantics<core_parallel>, #tpu.dimension_semantics<subcore_parallel>], iteration_bounds = array<i64: 2, 16>, scalar_prefetch = 0 : i64, scratch_operands = 5 : i64, tpu.core_type = #tpu.core_type<sc_vector_subcore>, window_params = [{transform_indices = #map}, {transform_indices = #map}, {transform_indices = #map}, {transform_indices = #map}, {transform_indices = #map1}]} {
    %sub3A = arith.constant 1 : i32
    %sub3A_0 = arith.subi %sub3A, %arg0 : i32
    %mul3A = arith.muli %sub3A_0, %arg1 : i32
    %mul3A_1 = arith.constant 96 : i32
    %mul3A_2 = arith.muli %mul3A, %mul3A_1 : i32
    %mul3A_3 = arith.constant 64 : i32
    %mul3A_4 = arith.muli %arg1, %mul3A_3 : i32
    %add3A = arith.constant 1536 : i32
    %add3A_5 = arith.addi %add3A, %mul3A_4 : i32
    %mul3A_6 = arith.muli %arg0, %add3A_5 : i32
    %add3A_7 = arith.addi %mul3A_2, %mul3A_6 : i32
    "tpu.region"() ({
      %run_scoped3A = tpu.sem_alloc : memref<!tpu.dma_semaphore, #tpu.memory_space<semaphore_mem>>
      %dma_start3A = arith.constant 0 : i32
      %dma_start3A_22 = tpu.memref_slice %arg3[%add3A_7, %dma_start3A] : memref<2592x128xi32, #tpu.memory_space<hbm>> -> memref<96x128xi32, #tpu.memory_space<hbm>>
      %dma_start3A_23 = arith.constant 0 : i32
      %dma_start3A_24 = tpu.memref_slice %arg3[%add3A_7, %dma_start3A_23] : memref<2592x128xi32, #tpu.memory_space<hbm>> -> memref<96x128xi32, #tpu.memory_space<hbm>>
      tpu.enqueue_dma source(%dma_start3A_24 : memref<96x128xi32, #tpu.memory_space<hbm>>) target(%arg7 : memref<96x128xi32, #tpu.memory_space<vmem>>) target_semaphore(%run_scoped3A : memref<!tpu.dma_semaphore, #tpu.memory_space<semaphore_mem>>)
      %dma_wait3A = arith.constant 0 : i32
      %dma_wait3A_25 = tpu.memref_slice %arg3[%add3A_7, %dma_wait3A] : memref<2592x128xi32, #tpu.memory_space<hbm>> -> memref<96x128xi32, #tpu.memory_space<hbm>>
      %dma_wait3A_26 = arith.constant 0 : i32
      %dma_wait3A_27 = tpu.memref_slice %arg3[%add3A_7, %dma_wait3A_26] : memref<2592x128xi32, #tpu.memory_space<hbm>> -> memref<96x128xi32, #tpu.memory_space<hbm>>
      tpu.wait_dma2 semaphore(%run_scoped3A : memref<!tpu.dma_semaphore, #tpu.memory_space<semaphore_mem>>) src(%dma_wait3A_27 : memref<96x128xi32, #tpu.memory_space<hbm>>) dst(%arg7 : memref<96x128xi32, #tpu.memory_space<vmem>>)
      tpu.yield
    }) : () -> ()
    "tpu.region"() ({
      %run_scoped3A = tpu.sem_alloc : memref<!tpu.dma_semaphore, #tpu.memory_space<semaphore_mem>>
      %dma_start3A = arith.constant 0 : i32
      %dma_start3A_22 = tpu.memref_slice %arg4[%add3A_7, %dma_start3A] : memref<2592x128xi32, #tpu.memory_space<hbm>> -> memref<96x128xi32, #tpu.memory_space<hbm>>
      %dma_start3A_23 = arith.constant 0 : i32
      %dma_start3A_24 = tpu.memref_slice %arg4[%add3A_7, %dma_start3A_23] : memref<2592x128xi32, #tpu.memory_space<hbm>> -> memref<96x128xi32, #tpu.memory_space<hbm>>
      tpu.enqueue_dma source(%dma_start3A_24 : memref<96x128xi32, #tpu.memory_space<hbm>>) target(%arg8 : memref<96x128xi32, #tpu.memory_space<vmem>>) target_semaphore(%run_scoped3A : memref<!tpu.dma_semaphore, #tpu.memory_space<semaphore_mem>>)
      %dma_wait3A = arith.constant 0 : i32
      %dma_wait3A_25 = tpu.memref_slice %arg4[%add3A_7, %dma_wait3A] : memref<2592x128xi32, #tpu.memory_space<hbm>> -> memref<96x128xi32, #tpu.memory_space<hbm>>
      %dma_wait3A_26 = arith.constant 0 : i32
      %dma_wait3A_27 = tpu.memref_slice %arg4[%add3A_7, %dma_wait3A_26] : memref<2592x128xi32, #tpu.memory_space<hbm>> -> memref<96x128xi32, #tpu.memory_space<hbm>>
      tpu.wait_dma2 semaphore(%run_scoped3A : memref<!tpu.dma_semaphore, #tpu.memory_space<semaphore_mem>>) src(%dma_wait3A_27 : memref<96x128xi32, #tpu.memory_space<hbm>>) dst(%arg8 : memref<96x128xi32, #tpu.memory_space<vmem>>)
      tpu.yield
    }) : () -> ()
    %mul3A_8 = arith.constant 640 : i32
    %mul3A_9 = arith.muli %arg1, %mul3A_8 : i32
    "tpu.region"() ({
      %run_scoped3A = tpu.sem_alloc : memref<!tpu.dma_semaphore, #tpu.memory_space<semaphore_mem>>
      %dma_start3A = arith.constant 0 : i32
      %dma_start3A_22 = tpu.memref_slice %arg10[%mul3A_9, %dma_start3A] : memref<10240x128xf32, #tpu.memory_space<vmem_shared>> -> memref<640x128xf32, #tpu.memory_space<vmem_shared>>
      tpu.enqueue_dma source(%arg5 : memref<640x128xf32, #tpu.memory_space<hbm>>) target(%dma_start3A_22 : memref<640x128xf32, #tpu.memory_space<vmem_shared>>) target_semaphore(%run_scoped3A : memref<!tpu.dma_semaphore, #tpu.memory_space<semaphore_mem>>)
      %dma_wait3A = arith.constant 0 : i32
      %dma_wait3A_23 = tpu.memref_slice %arg10[%mul3A_9, %dma_wait3A] : memref<10240x128xf32, #tpu.memory_space<vmem_shared>> -> memref<640x128xf32, #tpu.memory_space<vmem_shared>>
      tpu.wait_dma2 semaphore(%run_scoped3A : memref<!tpu.dma_semaphore, #tpu.memory_space<semaphore_mem>>) src(%arg5 : memref<640x128xf32, #tpu.memory_space<hbm>>) dst(%dma_wait3A_23 : memref<640x128xf32, #tpu.memory_space<vmem_shared>>)
      tpu.yield
    }) : () -> ()
    %barrier3A = arith.constant 0 : index
    tpu.barrier barrier_id(%barrier3A)
    %eq3A = arith.constant 0 : i32
    %eq3A_10 = arith.cmpi eq, %arg0, %eq3A : i32
    %convert_element_type3A = arith.extui %eq3A_10 : i1 to i32
    %cond3A = arith.constant 0 : i32
    %cond3A_11 = arith.cmpi ne, %convert_element_type3A, %cond3A : i32
    scf.if %cond3A_11 {
      %scan3A = arith.constant 0 : i32
      %scan3A_22 = arith.constant 0 : i32
      %scan3A_23 = arith.constant 96 : i32
      %scan3A_24 = arith.addi %scan3A_22, %scan3A_23 : i32
      %scan3A_25 = arith.constant 1 : i32
      scf.for %scan3A_27 = %scan3A_22 to %scan3A_24 step %scan3A_25  : i32 {
        %dma_start3A = arith.constant 0 : i32
        %dma_start3A_28 = tpu.memref_slice %arg7[%scan3A_27, %dma_start3A] : memref<96x128xi32, #tpu.memory_space<vmem>> -> memref<1x128xi32, #tpu.memory_space<vmem>>
        %dma_start3A_29 = tpu.memref_squeeze %dma_start3A_28 : memref<1x128xi32, #tpu.memory_space<vmem>> -> memref<128xi32, #tpu.memory_space<vmem>>
        %dma_start3A_30 = arith.constant 0 : i32
        %dma_start3A_31 = arith.constant 0 : i32
        %dma_start3A_32 = tpu.memref_slice %arg2[%dma_start3A_30, %dma_start3A_31] : memref<10000x128xf32, #tpu.memory_space<hbm>> -> memref<10000x128xf32, #tpu.memory_space<hbm>>
        tpu.enqueue_indirect_dma source(%dma_start3A_32 : memref<10000x128xf32, #tpu.memory_space<hbm>>) target(%arg9 : memref<128x128xf32, #tpu.memory_space<vmem>>) offsets(%dma_start3A_29 : memref<128xi32, #tpu.memory_space<vmem>>) semaphore(%arg11 : memref<!tpu.dma_semaphore, #tpu.memory_space<semaphore_mem>>)
        %dma_wait3A = arith.constant 0 : i32
        %dma_wait3A_33 = tpu.memref_slice %arg7[%scan3A_27, %dma_wait3A] : memref<96x128xi32, #tpu.memory_space<vmem>> -> memref<1x128xi32, #tpu.memory_space<vmem>>
        %dma_wait3A_34 = tpu.memref_squeeze %dma_wait3A_33 : memref<1x128xi32, #tpu.memory_space<vmem>> -> memref<128xi32, #tpu.memory_space<vmem>>
        %dma_wait3A_35 = arith.constant 0 : i32
        %dma_wait3A_36 = arith.constant 0 : i32
        %dma_wait3A_37 = tpu.memref_slice %arg2[%dma_wait3A_35, %dma_wait3A_36] : memref<10000x128xf32, #tpu.memory_space<hbm>> -> memref<10000x128xf32, #tpu.memory_space<hbm>>
        tpu.wait_indirect_dma semaphore(%arg11 : memref<!tpu.dma_semaphore, #tpu.memory_space<semaphore_mem>>) src(%dma_wait3A_37 : memref<10000x128xf32, #tpu.memory_space<hbm>>) dst(%arg9 : memref<128x128xf32, #tpu.memory_space<vmem>>)
        "tpu.region"() ({
          %run_scoped3A = tpu.sem_alloc : memref<!tpu.dma_semaphore, #tpu.memory_space<semaphore_mem>>
          %dma_start3A_38 = arith.constant 0 : i32
          %dma_start3A_39 = tpu.memref_slice %arg8[%scan3A_27, %dma_start3A_38] : memref<96x128xi32, #tpu.memory_space<vmem>> -> memref<1x128xi32, #tpu.memory_space<vmem>>
          %dma_start3A_40 = tpu.memref_squeeze %dma_start3A_39 : memref<1x128xi32, #tpu.memory_space<vmem>> -> memref<128xi32, #tpu.memory_space<vmem>>
          %dma_start3A_41 = arith.constant 0 : i32
          %dma_start3A_42 = arith.constant 0 : i32
          %dma_start3A_43 = tpu.memref_slice %arg10[%dma_start3A_41, %dma_start3A_42] : memref<10240x128xf32, #tpu.memory_space<vmem_shared>> -> memref<10240x128xf32, #tpu.memory_space<vmem_shared>>
          tpu.enqueue_indirect_dma source(%arg9 : memref<128x128xf32, #tpu.memory_space<vmem>>) target(%dma_start3A_43 : memref<10240x128xf32, #tpu.memory_space<vmem_shared>>) offsets(%dma_start3A_40 : memref<128xi32, #tpu.memory_space<vmem>>) semaphore(%run_scoped3A : memref<!tpu.dma_semaphore, #tpu.memory_space<semaphore_mem>>) {add = true}
          %dma_wait3A_44 = arith.constant 0 : i32
          %dma_wait3A_45 = tpu.memref_slice %arg8[%scan3A_27, %dma_wait3A_44] : memref<96x128xi32, #tpu.memory_space<vmem>> -> memref<1x128xi32, #tpu.memory_space<vmem>>
          %dma_wait3A_46 = tpu.memref_squeeze %dma_wait3A_45 : memref<1x128xi32, #tpu.memory_space<vmem>> -> memref<128xi32, #tpu.memory_space<vmem>>
          %dma_wait3A_47 = arith.constant 0 : i32
          %dma_wait3A_48 = arith.constant 0 : i32
          %dma_wait3A_49 = tpu.memref_slice %arg10[%dma_wait3A_47, %dma_wait3A_48] : memref<10240x128xf32, #tpu.memory_space<vmem_shared>> -> memref<10240x128xf32, #tpu.memory_space<vmem_shared>>
          tpu.wait_indirect_dma semaphore(%run_scoped3A : memref<!tpu.dma_semaphore, #tpu.memory_space<semaphore_mem>>) src(%arg9 : memref<128x128xf32, #tpu.memory_space<vmem>>) dst(%dma_wait3A_49 : memref<10240x128xf32, #tpu.memory_space<vmem_shared>>)
          tpu.yield
        }) : () -> ()
      }
      %scan3A_26 = arith.constant 96 : i32
    } else {
    }
    %eq3A_12 = arith.constant 1 : i32
    %eq3A_13 = arith.cmpi eq, %arg0, %eq3A_12 : i32
    %convert_element_type3A_14 = arith.extui %eq3A_13 : i1 to i32
    %cond3A_15 = arith.constant 0 : i32
    %cond3A_16 = arith.cmpi ne, %convert_element_type3A_14, %cond3A_15 : i32
    scf.if %cond3A_16 {
      %scan3A = arith.constant 0 : i32
      %scan3A_22 = arith.constant 0 : i32
      %scan3A_23 = arith.constant 64 : i32
      %scan3A_24 = arith.addi %scan3A_22, %scan3A_23 : i32
      %scan3A_25 = arith.constant 1 : i32
      scf.for %scan3A_27 = %scan3A_22 to %scan3A_24 step %scan3A_25  : i32 {
        %dma_start3A = arith.constant 0 : i32
        %dma_start3A_28 = tpu.memref_slice %arg7[%scan3A_27, %dma_start3A] : memref<96x128xi32, #tpu.memory_space<vmem>> -> memref<1x128xi32, #tpu.memory_space<vmem>>
        %dma_start3A_29 = tpu.memref_squeeze %dma_start3A_28 : memref<1x128xi32, #tpu.memory_space<vmem>> -> memref<128xi32, #tpu.memory_space<vmem>>
        %dma_start3A_30 = arith.constant 0 : i32
        %dma_start3A_31 = arith.constant 0 : i32
        %dma_start3A_32 = tpu.memref_slice %arg2[%dma_start3A_30, %dma_start3A_31] : memref<10000x128xf32, #tpu.memory_space<hbm>> -> memref<10000x128xf32, #tpu.memory_space<hbm>>
        tpu.enqueue_indirect_dma source(%dma_start3A_32 : memref<10000x128xf32, #tpu.memory_space<hbm>>) target(%arg9 : memref<128x128xf32, #tpu.memory_space<vmem>>) offsets(%dma_start3A_29 : memref<128xi32, #tpu.memory_space<vmem>>) semaphore(%arg11 : memref<!tpu.dma_semaphore, #tpu.memory_space<semaphore_mem>>)
        %dma_wait3A = arith.constant 0 : i32
        %dma_wait3A_33 = tpu.memref_slice %arg7[%scan3A_27, %dma_wait3A] : memref<96x128xi32, #tpu.memory_space<vmem>> -> memref<1x128xi32, #tpu.memory_space<vmem>>
        %dma_wait3A_34 = tpu.memref_squeeze %dma_wait3A_33 : memref<1x128xi32, #tpu.memory_space<vmem>> -> memref<128xi32, #tpu.memory_space<vmem>>
        %dma_wait3A_35 = arith.constant 0 : i32
        %dma_wait3A_36 = arith.constant 0 : i32
        %dma_wait3A_37 = tpu.memref_slice %arg2[%dma_wait3A_35, %dma_wait3A_36] : memref<10000x128xf32, #tpu.memory_space<hbm>> -> memref<10000x128xf32, #tpu.memory_space<hbm>>
        tpu.wait_indirect_dma semaphore(%arg11 : memref<!tpu.dma_semaphore, #tpu.memory_space<semaphore_mem>>) src(%dma_wait3A_37 : memref<10000x128xf32, #tpu.memory_space<hbm>>) dst(%arg9 : memref<128x128xf32, #tpu.memory_space<vmem>>)
        "tpu.region"() ({
          %run_scoped3A = tpu.sem_alloc : memref<!tpu.dma_semaphore, #tpu.memory_space<semaphore_mem>>
          %dma_start3A_38 = arith.constant 0 : i32
          %dma_start3A_39 = tpu.memref_slice %arg8[%scan3A_27, %dma_start3A_38] : memref<96x128xi32, #tpu.memory_space<vmem>> -> memref<1x128xi32, #tpu.memory_space<vmem>>
          %dma_start3A_40 = tpu.memref_squeeze %dma_start3A_39 : memref<1x128xi32, #tpu.memory_space<vmem>> -> memref<128xi32, #tpu.memory_space<vmem>>
          %dma_start3A_41 = arith.constant 0 : i32
          %dma_start3A_42 = arith.constant 0 : i32
          %dma_start3A_43 = tpu.memref_slice %arg10[%dma_start3A_41, %dma_start3A_42] : memref<10240x128xf32, #tpu.memory_space<vmem_shared>> -> memref<10240x128xf32, #tpu.memory_space<vmem_shared>>
          tpu.enqueue_indirect_dma source(%arg9 : memref<128x128xf32, #tpu.memory_space<vmem>>) target(%dma_start3A_43 : memref<10240x128xf32, #tpu.memory_space<vmem_shared>>) offsets(%dma_start3A_40 : memref<128xi32, #tpu.memory_space<vmem>>) semaphore(%run_scoped3A : memref<!tpu.dma_semaphore, #tpu.memory_space<semaphore_mem>>) {add = true}
          %dma_wait3A_44 = arith.constant 0 : i32
          %dma_wait3A_45 = tpu.memref_slice %arg8[%scan3A_27, %dma_wait3A_44] : memref<96x128xi32, #tpu.memory_space<vmem>> -> memref<1x128xi32, #tpu.memory_space<vmem>>
          %dma_wait3A_46 = tpu.memref_squeeze %dma_wait3A_45 : memref<1x128xi32, #tpu.memory_space<vmem>> -> memref<128xi32, #tpu.memory_space<vmem>>
          %dma_wait3A_47 = arith.constant 0 : i32
          %dma_wait3A_48 = arith.constant 0 : i32
          %dma_wait3A_49 = tpu.memref_slice %arg10[%dma_wait3A_47, %dma_wait3A_48] : memref<10240x128xf32, #tpu.memory_space<vmem_shared>> -> memref<10240x128xf32, #tpu.memory_space<vmem_shared>>
          tpu.wait_indirect_dma semaphore(%run_scoped3A : memref<!tpu.dma_semaphore, #tpu.memory_space<semaphore_mem>>) src(%arg9 : memref<128x128xf32, #tpu.memory_space<vmem>>) dst(%dma_wait3A_49 : memref<10240x128xf32, #tpu.memory_space<vmem_shared>>)
          tpu.yield
        }) : () -> ()
      }
      %scan3A_26 = arith.constant 64 : i32
    } else {
    }
    %barrier3A_17 = arith.constant 0 : index
    tpu.barrier barrier_id(%barrier3A_17)
    %mul3A_18 = arith.constant 640 : i32
    %mul3A_19 = arith.muli %arg1, %mul3A_18 : i32
    %mul3A_20 = arith.constant 640 : i32
    %mul3A_21 = arith.muli %arg1, %mul3A_20 : i32
    "tpu.region"() ({
      %run_scoped3A = tpu.sem_alloc : memref<!tpu.dma_semaphore, #tpu.memory_space<semaphore_mem>>
      %dma_start3A = arith.constant 0 : i32
      %dma_start3A_22 = tpu.memref_slice %arg6[%arg0, %mul3A_21, %dma_start3A] : memref<2x10240x128xf32, #tpu.memory_space<hbm>> -> memref<1x640x128xf32, #tpu.memory_space<hbm>>
      %dma_start3A_23 = tpu.memref_squeeze %dma_start3A_22 : memref<1x640x128xf32, #tpu.memory_space<hbm>> -> memref<640x128xf32, #tpu.memory_space<hbm>>
      %dma_start3A_24 = arith.constant 0 : i32
      %dma_start3A_25 = tpu.memref_slice %arg10[%mul3A_19, %dma_start3A_24] : memref<10240x128xf32, #tpu.memory_space<vmem_shared>> -> memref<640x128xf32, #tpu.memory_space<vmem_shared>>
      tpu.enqueue_dma source(%dma_start3A_25 : memref<640x128xf32, #tpu.memory_space<vmem_shared>>) target(%dma_start3A_23 : memref<640x128xf32, #tpu.memory_space<hbm>>) target_semaphore(%run_scoped3A : memref<!tpu.dma_semaphore, #tpu.memory_space<semaphore_mem>>)
      %dma_wait3A = arith.constant 0 : i32
      %dma_wait3A_26 = tpu.memref_slice %arg6[%arg0, %mul3A_21, %dma_wait3A] : memref<2x10240x128xf32, #tpu.memory_space<hbm>> -> memref<1x640x128xf32, #tpu.memory_space<hbm>>
      %dma_wait3A_27 = tpu.memref_squeeze %dma_wait3A_26 : memref<1x640x128xf32, #tpu.memory_space<hbm>> -> memref<640x128xf32, #tpu.memory_space<hbm>>
      %dma_wait3A_28 = arith.constant 0 : i32
      %dma_wait3A_29 = tpu.memref_slice %arg10[%mul3A_19, %dma_wait3A_28] : memref<10240x128xf32, #tpu.memory_space<vmem_shared>> -> memref<640x128xf32, #tpu.memory_space<vmem_shared>>
      tpu.wait_dma2 semaphore(%run_scoped3A : memref<!tpu.dma_semaphore, #tpu.memory_space<semaphore_mem>>) src(%dma_wait3A_29 : memref<640x128xf32, #tpu.memory_space<vmem_shared>>) dst(%dma_wait3A_27 : memref<640x128xf32, #tpu.memory_space<hbm>>)
      tpu.yield
    }) : () -> ()
    return
  }
}

#map = affine_map<(d0, d1) -> (0, 0)>
#map1 = affine_map<(d0, d1) -> (0, 0, 0)>
module attributes {stable_mosaic.version = 14 : i64} {
  func.func @_sc_embed(%arg0: i32, %arg1: i32, %arg2: memref<100000x256xf32, #tpu.memory_space<hbm>>, %arg3: memref<32x2x128xi32, #tpu.memory_space<hbm>>, %arg4: memref<8192x256xf32, #tpu.memory_space<hbm>>, %arg5: memref<2x128xi32, #tpu.memory_space<vmem>>, %arg6: memref<128x256xf32, #tpu.memory_space<vmem>>, %arg7: memref<!tpu.dma_semaphore, #tpu.memory_space<semaphore_mem>>) attributes {dimension_semantics = [#tpu.dimension_semantics<core_parallel>, #tpu.dimension_semantics<subcore_parallel>], iteration_bounds = array<i64: 2, 16>, scalar_prefetch = 0 : i64, scratch_operands = 3 : i64, tpu.core_type = #tpu.core_type<sc_vector_subcore>, window_params = [{transform_indices = #map}, {transform_indices = #map1}, {transform_indices = #map}]} {
    %mul3A = arith.constant 16 : i32
    %mul3A_0 = arith.muli %arg0, %mul3A : i32
    %add3A = arith.addi %mul3A_0, %arg1 : i32
    "tpu.region"() ({
      %run_scoped3A = tpu.sem_alloc : memref<!tpu.dma_semaphore, #tpu.memory_space<semaphore_mem>>
      %dma_start3A_35 = arith.constant 0 : i32
      %dma_start3A_36 = arith.constant 0 : i32
      %dma_start3A_37 = tpu.memref_slice %arg3[%add3A, %dma_start3A_35, %dma_start3A_36] : memref<32x2x128xi32, #tpu.memory_space<hbm>> -> memref<1x2x128xi32, #tpu.memory_space<hbm>>
      %dma_start3A_38 = tpu.memref_squeeze %dma_start3A_37 : memref<1x2x128xi32, #tpu.memory_space<hbm>> -> memref<2x128xi32, #tpu.memory_space<hbm>>
      %dma_start3A_39 = arith.constant 0 : i32
      %dma_start3A_40 = arith.constant 0 : i32
      %dma_start3A_41 = tpu.memref_slice %arg3[%add3A, %dma_start3A_39, %dma_start3A_40] : memref<32x2x128xi32, #tpu.memory_space<hbm>> -> memref<1x2x128xi32, #tpu.memory_space<hbm>>
      %dma_start3A_42 = tpu.memref_squeeze %dma_start3A_41 : memref<1x2x128xi32, #tpu.memory_space<hbm>> -> memref<2x128xi32, #tpu.memory_space<hbm>>
      tpu.enqueue_dma source(%dma_start3A_42 : memref<2x128xi32, #tpu.memory_space<hbm>>) target(%arg5 : memref<2x128xi32, #tpu.memory_space<vmem>>) target_semaphore(%run_scoped3A : memref<!tpu.dma_semaphore, #tpu.memory_space<semaphore_mem>>)
      %dma_wait3A_43 = arith.constant 0 : i32
      %dma_wait3A_44 = arith.constant 0 : i32
      %dma_wait3A_45 = tpu.memref_slice %arg3[%add3A, %dma_wait3A_43, %dma_wait3A_44] : memref<32x2x128xi32, #tpu.memory_space<hbm>> -> memref<1x2x128xi32, #tpu.memory_space<hbm>>
      %dma_wait3A_46 = tpu.memref_squeeze %dma_wait3A_45 : memref<1x2x128xi32, #tpu.memory_space<hbm>> -> memref<2x128xi32, #tpu.memory_space<hbm>>
      %dma_wait3A_47 = arith.constant 0 : i32
      %dma_wait3A_48 = arith.constant 0 : i32
      %dma_wait3A_49 = tpu.memref_slice %arg3[%add3A, %dma_wait3A_47, %dma_wait3A_48] : memref<32x2x128xi32, #tpu.memory_space<hbm>> -> memref<1x2x128xi32, #tpu.memory_space<hbm>>
      %dma_wait3A_50 = tpu.memref_squeeze %dma_wait3A_49 : memref<1x2x128xi32, #tpu.memory_space<hbm>> -> memref<2x128xi32, #tpu.memory_space<hbm>>
      tpu.wait_dma2 semaphore(%run_scoped3A : memref<!tpu.dma_semaphore, #tpu.memory_space<semaphore_mem>>) src(%dma_wait3A_50 : memref<2x128xi32, #tpu.memory_space<hbm>>) dst(%arg5 : memref<2x128xi32, #tpu.memory_space<vmem>>)
      tpu.yield
    }) : () -> ()
    %dma_start3A = arith.constant 0 : i32
    %dma_start3A_1 = arith.constant 0 : i32
    %dma_start3A_2 = tpu.memref_slice %arg5[%dma_start3A, %dma_start3A_1] : memref<2x128xi32, #tpu.memory_space<vmem>> -> memref<1x128xi32, #tpu.memory_space<vmem>>
    %dma_start3A_3 = tpu.memref_squeeze %dma_start3A_2 : memref<1x128xi32, #tpu.memory_space<vmem>> -> memref<128xi32, #tpu.memory_space<vmem>>
    %dma_start3A_4 = arith.constant 0 : i32
    %dma_start3A_5 = arith.constant 0 : i32
    %dma_start3A_6 = tpu.memref_slice %arg2[%dma_start3A_4, %dma_start3A_5] : memref<100000x256xf32, #tpu.memory_space<hbm>> -> memref<100000x256xf32, #tpu.memory_space<hbm>>
    tpu.enqueue_indirect_dma source(%dma_start3A_6 : memref<100000x256xf32, #tpu.memory_space<hbm>>) target(%arg6 : memref<128x256xf32, #tpu.memory_space<vmem>>) offsets(%dma_start3A_3 : memref<128xi32, #tpu.memory_space<vmem>>) semaphore(%arg7 : memref<!tpu.dma_semaphore, #tpu.memory_space<semaphore_mem>>)
    %dma_wait3A = arith.constant 0 : i32
    %dma_wait3A_7 = arith.constant 0 : i32
    %dma_wait3A_8 = tpu.memref_slice %arg5[%dma_wait3A, %dma_wait3A_7] : memref<2x128xi32, #tpu.memory_space<vmem>> -> memref<1x128xi32, #tpu.memory_space<vmem>>
    %dma_wait3A_9 = tpu.memref_squeeze %dma_wait3A_8 : memref<1x128xi32, #tpu.memory_space<vmem>> -> memref<128xi32, #tpu.memory_space<vmem>>
    %dma_wait3A_10 = arith.constant 0 : i32
    %dma_wait3A_11 = arith.constant 0 : i32
    %dma_wait3A_12 = tpu.memref_slice %arg2[%dma_wait3A_10, %dma_wait3A_11] : memref<100000x256xf32, #tpu.memory_space<hbm>> -> memref<100000x256xf32, #tpu.memory_space<hbm>>
    tpu.wait_indirect_dma semaphore(%arg7 : memref<!tpu.dma_semaphore, #tpu.memory_space<semaphore_mem>>) src(%dma_wait3A_12 : memref<100000x256xf32, #tpu.memory_space<hbm>>) dst(%arg6 : memref<128x256xf32, #tpu.memory_space<vmem>>)
    %mul3A_13 = arith.constant 256 : i32
    %mul3A_14 = arith.muli %add3A, %mul3A_13 : i32
    %add3A_15 = arith.constant 0 : i32
    %add3A_16 = arith.addi %mul3A_14, %add3A_15 : i32
    "tpu.region"() ({
      %run_scoped3A = tpu.sem_alloc : memref<!tpu.dma_semaphore, #tpu.memory_space<semaphore_mem>>
      %dma_start3A_35 = arith.constant 0 : i32
      %dma_start3A_36 = tpu.memref_slice %arg4[%add3A_16, %dma_start3A_35] : memref<8192x256xf32, #tpu.memory_space<hbm>> -> memref<128x256xf32, #tpu.memory_space<hbm>>
      %dma_start3A_37 = arith.constant 0 : i32
      %dma_start3A_38 = tpu.memref_slice %arg4[%add3A_16, %dma_start3A_37] : memref<8192x256xf32, #tpu.memory_space<hbm>> -> memref<128x256xf32, #tpu.memory_space<hbm>>
      tpu.enqueue_dma source(%arg6 : memref<128x256xf32, #tpu.memory_space<vmem>>) target(%dma_start3A_38 : memref<128x256xf32, #tpu.memory_space<hbm>>) target_semaphore(%run_scoped3A : memref<!tpu.dma_semaphore, #tpu.memory_space<semaphore_mem>>)
      %dma_wait3A_39 = arith.constant 0 : i32
      %dma_wait3A_40 = tpu.memref_slice %arg4[%add3A_16, %dma_wait3A_39] : memref<8192x256xf32, #tpu.memory_space<hbm>> -> memref<128x256xf32, #tpu.memory_space<hbm>>
      %dma_wait3A_41 = arith.constant 0 : i32
      %dma_wait3A_42 = tpu.memref_slice %arg4[%add3A_16, %dma_wait3A_41] : memref<8192x256xf32, #tpu.memory_space<hbm>> -> memref<128x256xf32, #tpu.memory_space<hbm>>
      tpu.wait_dma2 semaphore(%run_scoped3A : memref<!tpu.dma_semaphore, #tpu.memory_space<semaphore_mem>>) src(%arg6 : memref<128x256xf32, #tpu.memory_space<vmem>>) dst(%dma_wait3A_42 : memref<128x256xf32, #tpu.memory_space<hbm>>)
      tpu.yield
    }) : () -> ()
    %dma_start3A_17 = arith.constant 1 : i32
    %dma_start3A_18 = arith.constant 0 : i32
    %dma_start3A_19 = tpu.memref_slice %arg5[%dma_start3A_17, %dma_start3A_18] : memref<2x128xi32, #tpu.memory_space<vmem>> -> memref<1x128xi32, #tpu.memory_space<vmem>>
    %dma_start3A_20 = tpu.memref_squeeze %dma_start3A_19 : memref<1x128xi32, #tpu.memory_space<vmem>> -> memref<128xi32, #tpu.memory_space<vmem>>
    %dma_start3A_21 = arith.constant 0 : i32
    %dma_start3A_22 = arith.constant 0 : i32
    %dma_start3A_23 = tpu.memref_slice %arg2[%dma_start3A_21, %dma_start3A_22] : memref<100000x256xf32, #tpu.memory_space<hbm>> -> memref<100000x256xf32, #tpu.memory_space<hbm>>
    tpu.enqueue_indirect_dma source(%dma_start3A_23 : memref<100000x256xf32, #tpu.memory_space<hbm>>) target(%arg6 : memref<128x256xf32, #tpu.memory_space<vmem>>) offsets(%dma_start3A_20 : memref<128xi32, #tpu.memory_space<vmem>>) semaphore(%arg7 : memref<!tpu.dma_semaphore, #tpu.memory_space<semaphore_mem>>)
    %dma_wait3A_24 = arith.constant 1 : i32
    %dma_wait3A_25 = arith.constant 0 : i32
    %dma_wait3A_26 = tpu.memref_slice %arg5[%dma_wait3A_24, %dma_wait3A_25] : memref<2x128xi32, #tpu.memory_space<vmem>> -> memref<1x128xi32, #tpu.memory_space<vmem>>
    %dma_wait3A_27 = tpu.memref_squeeze %dma_wait3A_26 : memref<1x128xi32, #tpu.memory_space<vmem>> -> memref<128xi32, #tpu.memory_space<vmem>>
    %dma_wait3A_28 = arith.constant 0 : i32
    %dma_wait3A_29 = arith.constant 0 : i32
    %dma_wait3A_30 = tpu.memref_slice %arg2[%dma_wait3A_28, %dma_wait3A_29] : memref<100000x256xf32, #tpu.memory_space<hbm>> -> memref<100000x256xf32, #tpu.memory_space<hbm>>
    tpu.wait_indirect_dma semaphore(%arg7 : memref<!tpu.dma_semaphore, #tpu.memory_space<semaphore_mem>>) src(%dma_wait3A_30 : memref<100000x256xf32, #tpu.memory_space<hbm>>) dst(%arg6 : memref<128x256xf32, #tpu.memory_space<vmem>>)
    %mul3A_31 = arith.constant 256 : i32
    %mul3A_32 = arith.muli %add3A, %mul3A_31 : i32
    %add3A_33 = arith.constant 128 : i32
    %add3A_34 = arith.addi %mul3A_32, %add3A_33 : i32
    "tpu.region"() ({
      %run_scoped3A = tpu.sem_alloc : memref<!tpu.dma_semaphore, #tpu.memory_space<semaphore_mem>>
      %dma_start3A_35 = arith.constant 0 : i32
      %dma_start3A_36 = tpu.memref_slice %arg4[%add3A_34, %dma_start3A_35] : memref<8192x256xf32, #tpu.memory_space<hbm>> -> memref<128x256xf32, #tpu.memory_space<hbm>>
      %dma_start3A_37 = arith.constant 0 : i32
      %dma_start3A_38 = tpu.memref_slice %arg4[%add3A_34, %dma_start3A_37] : memref<8192x256xf32, #tpu.memory_space<hbm>> -> memref<128x256xf32, #tpu.memory_space<hbm>>
      tpu.enqueue_dma source(%arg6 : memref<128x256xf32, #tpu.memory_space<vmem>>) target(%dma_start3A_38 : memref<128x256xf32, #tpu.memory_space<hbm>>) target_semaphore(%run_scoped3A : memref<!tpu.dma_semaphore, #tpu.memory_space<semaphore_mem>>)
      %dma_wait3A_39 = arith.constant 0 : i32
      %dma_wait3A_40 = tpu.memref_slice %arg4[%add3A_34, %dma_wait3A_39] : memref<8192x256xf32, #tpu.memory_space<hbm>> -> memref<128x256xf32, #tpu.memory_space<hbm>>
      %dma_wait3A_41 = arith.constant 0 : i32
      %dma_wait3A_42 = tpu.memref_slice %arg4[%add3A_34, %dma_wait3A_41] : memref<8192x256xf32, #tpu.memory_space<hbm>> -> memref<128x256xf32, #tpu.memory_space<hbm>>
      tpu.wait_dma2 semaphore(%run_scoped3A : memref<!tpu.dma_semaphore, #tpu.memory_space<semaphore_mem>>) src(%arg6 : memref<128x256xf32, #tpu.memory_space<vmem>>) dst(%dma_wait3A_42 : memref<128x256xf32, #tpu.memory_space<hbm>>)
      tpu.yield
    }) : () -> ()
    return
  }
}

module attributes {stable_mosaic.version = 14 : i64} {
  func.func @_tc_matmul_body(%arg0: i32, %arg1: memref<1000x128xf32, #tpu.memory_space<vmem>>, %arg2: memref<128x128xf32, #tpu.memory_space<vmem>>, %arg3: memref<1000x128xf32, #tpu.memory_space<vmem>>) attributes {dimension_semantics = [#tpu.dimension_semantics<arbitrary>], iteration_bounds = array<i64: 10>, scalar_prefetch = 0 : i64, scratch_operands = 0 : i64, tpu.core_type = #tpu.core_type<tc>, window_params = [{transform_indices = @transform_0, window_bounds = array<i64: 1000, 128>}, {pipeline_mode = #tpu.pipeline_mode<synchronous>, transform_indices = @transform_1, window_bounds = array<i64: 128, 128>}, {transform_indices = @transform_2, window_bounds = array<i64: 1000, 128>}]} {
    %get3A = arith.constant 0 : index
    %get3A_0 = arith.constant 0 : index
    %get3A_1 = vector.load %arg1[%get3A, %get3A_0] : memref<1000x128xf32, #tpu.memory_space<vmem>>, vector<1000x128xf32>
    %get3A_2 = arith.constant 0 : index
    %get3A_3 = arith.constant 0 : index
    %get3A_4 = vector.load %arg2[%get3A_2, %get3A_3] : memref<128x128xf32, #tpu.memory_space<vmem>>, vector<128x128xf32>
    %dot_general3A = arith.constant dense<0.000000e+00> : vector<1000x128xf32>
    %dot_general3A_5 = tpu.matmul %get3A_1, %get3A_4, %dot_general3A {dimension_numbers = #tpu.dot_dimension_numbers<[1], [0], [0], [1], [0, 0, 1, 1], [], []>, transpose_lhs_hint = false} : vector<1000x128xf32>, vector<128x128xf32>, vector<1000x128xf32> -> vector<1000x128xf32>
    %swap3A = arith.constant 0 : index
    %swap3A_6 = arith.constant 0 : index
    %swap3A_7 = vector.load %arg3[%swap3A, %swap3A_6] : memref<1000x128xf32, #tpu.memory_space<vmem>>, vector<1000x128xf32>
    tpu.vector_store %arg3[%swap3A, %swap3A_6], %dot_general3A_5 {strides = array<i32>} : memref<1000x128xf32, #tpu.memory_space<vmem>>, vector<1000x128xf32>,
    return
  }
  func.func @transform_0(%arg0: i32) -> (i32, i32) {
    %c0_i32 = arith.constant 0 : i32
    %c0_i32_0 = arith.constant 0 : i32
    return %arg0, %c0_i32 : i32, i32
  }
  func.func @transform_1(%arg0: i32) -> (i32, i32) {
    %c0_i32 = arith.constant 0 : i32
    %c0_i32_0 = arith.constant 0 : i32
    %c0_i32_1 = arith.constant 0 : i32
    return %c0_i32, %c0_i32_0 : i32, i32
  }
  func.func @transform_2(%arg0: i32) -> (i32, i32) {
    %c0_i32 = arith.constant 0 : i32
    %c0_i32_0 = arith.constant 0 : i32
    return %arg0, %c0_i32 : i32, i32
  }
}

module attributes {stable_mosaic.version = 14 : i64} {
  func.func @_tc_pad_body(%arg0: i32, %arg1: memref<2000x200xf32, #tpu.memory_space<vmem>>, %arg2: memref<2000x256xf32, #tpu.memory_space<vmem>>) attributes {dimension_semantics = [#tpu.dimension_semantics<arbitrary>], iteration_bounds = array<i64: 50>, scalar_prefetch = 0 : i64, scratch_operands = 0 : i64, tpu.core_type = #tpu.core_type<tc>, window_params = [{transform_indices = @transform_0, window_bounds = array<i64: 2000, 200>}, {transform_indices = @transform_1, window_bounds = array<i64: 2000, 256>}]} {
    %get3A = arith.constant 0 : index
    %get3A_0 = arith.constant 0 : index
    %get3A_1 = vector.load %arg1[%get3A, %get3A_0] : memref<2000x200xf32, #tpu.memory_space<vmem>>, vector<2000x200xf32>
    %broadcast_in_dim3A = arith.constant 0.000000e+00 : f32
    %broadcast_in_dim3A_2 = vector.broadcast %broadcast_in_dim3A : f32 to vector<2000x56xf32>
    %concatenate3A = tpu.concatenate %get3A_1, %broadcast_in_dim3A_2 in 1 : vector<2000x200xf32>, vector<2000x56xf32> -> vector<2000x256xf32>
    %swap3A = arith.constant 0 : index
    %swap3A_3 = arith.constant 0 : index
    %swap3A_4 = vector.load %arg2[%swap3A, %swap3A_3] : memref<2000x256xf32, #tpu.memory_space<vmem>>, vector<2000x256xf32>
    tpu.vector_store %arg2[%swap3A, %swap3A_3], %concatenate3A {strides = array<i32>} : memref<2000x256xf32, #tpu.memory_space<vmem>>, vector<2000x256xf32>,
    return
  }
  func.func @transform_0(%arg0: i32) -> (i32, i32) {
    %c0_i32 = arith.constant 0 : i32
    %c0_i32_0 = arith.constant 0 : i32
    return %arg0, %c0_i32 : i32, i32
  }
  func.func @transform_1(%arg0: i32) -> (i32, i32) {
    %c0_i32 = arith.constant 0 : i32
    %c0_i32_0 = arith.constant 0 : i32
    return %arg0, %c0_i32 : i32, i32
  }
}

module attributes {stable_mosaic.version = 14 : i64} {
  func.func @_tc_relu_body(%arg0: i32, %arg1: memref<1x1000x128xf32, #tpu.memory_space<vmem>>, %arg2: memref<1x1000x128xf32, #tpu.memory_space<vmem>>, %arg3: memref<1x128xf32, #tpu.memory_space<vmem>>, %arg4: memref<1000x128xf32, #tpu.memory_space<vmem>>) attributes {dimension_semantics = [#tpu.dimension_semantics<arbitrary>], iteration_bounds = array<i64: 10>, scalar_prefetch = 0 : i64, scratch_operands = 0 : i64, tpu.core_type = #tpu.core_type<tc>, window_params = [{transform_indices = @transform_0, window_bounds = array<i64: 1, 1000, 128>}, {transform_indices = @transform_1, window_bounds = array<i64: 1, 1000, 128>}, {pipeline_mode = #tpu.pipeline_mode<synchronous>, transform_indices = @transform_2, window_bounds = array<i64: 1, 128>}, {transform_indices = @transform_3, window_bounds = array<i64: 1000, 128>}]} {
    %get3A = arith.constant 0 : index
    %get3A_0 = arith.constant 0 : index
    %get3A_1 = arith.constant 0 : index
    %get3A_2 = vector.load %arg1[%get3A, %get3A_0, %get3A_1] : memref<1x1000x128xf32, #tpu.memory_space<vmem>>, vector<1x1000x128xf32>
    %get3A_3 = vector.shape_cast %get3A_2 : vector<1x1000x128xf32> to vector<1000x128xf32>
    %get3A_4 = arith.constant 0 : index
    %get3A_5 = arith.constant 0 : index
    %get3A_6 = arith.constant 0 : index
    %get3A_7 = vector.load %arg2[%get3A_4, %get3A_5, %get3A_6] : memref<1x1000x128xf32, #tpu.memory_space<vmem>>, vector<1x1000x128xf32>
    %get3A_8 = vector.shape_cast %get3A_7 : vector<1x1000x128xf32> to vector<1000x128xf32>
    %add3A = arith.addf %get3A_3, %get3A_8 : vector<1000x128xf32>
    %get3A_9 = arith.constant 0 : index
    %get3A_10 = arith.constant 0 : index
    %get3A_11 = vector.load %arg3[%get3A_9, %get3A_10] : memref<1x128xf32, #tpu.memory_space<vmem>>, vector<1x128xf32>
    %add3A_12 = vector.broadcast %get3A_11 : vector<1x128xf32> to vector<1000x128xf32>
    %add3A_13 = arith.addf %add3A, %add3A_12 : vector<1000x128xf32>
    %max3A = arith.constant 0.000000e+00 : f32
    %max3A_14 = vector.broadcast %max3A : f32 to vector<1000x128xf32>
    %max3A_15 = arith.maximumf %add3A_13, %max3A_14 : vector<1000x128xf32>
    %swap3A = arith.constant 0 : index
    %swap3A_16 = arith.constant 0 : index
    %swap3A_17 = vector.load %arg4[%swap3A, %swap3A_16] : memref<1000x128xf32, #tpu.memory_space<vmem>>, vector<1000x128xf32>
    tpu.vector_store %arg4[%swap3A, %swap3A_16], %max3A_15 {strides = array<i32>} : memref<1000x128xf32, #tpu.memory_space<vmem>>, vector<1000x128xf32>,
    return
  }
  func.func @transform_0(%arg0: i32) -> (i32, i32, i32) {
    %c0_i32 = arith.constant 0 : i32
    %c0_i32_0 = arith.constant 0 : i32
    %c0_i32_1 = arith.constant 0 : i32
    return %c0_i32, %arg0, %c0_i32_0 : i32, i32, i32
  }
  func.func @transform_1(%arg0: i32) -> (i32, i32, i32) {
    %c1_i32 = arith.constant 1 : i32
    %c0_i32 = arith.constant 0 : i32
    %c0_i32_0 = arith.constant 0 : i32
    return %c1_i32, %arg0, %c0_i32 : i32, i32, i32
  }
  func.func @transform_2(%arg0: i32) -> (i32, i32) {
    %c0_i32 = arith.constant 0 : i32
    %c0_i32_0 = arith.constant 0 : i32
    %c0_i32_1 = arith.constant 0 : i32
    return %c0_i32, %c0_i32_0 : i32, i32
  }
  func.func @transform_3(%arg0: i32) -> (i32, i32) {
    %c0_i32 = arith.constant 0 : i32
    %c0_i32_0 = arith.constant 0 : i32
    return %arg0, %c0_i32 : i32, i32
  }
}

module attributes {stable_mosaic.version = 14 : i64} {
  func.func @_tc_conv_body(%arg0: i32, %arg1: memref<1x512x256xf32, #tpu.memory_space<vmem>>, %arg2: memref<256x1536xf32, #tpu.memory_space<vmem>>, %arg3: memref<1x128xf32, #tpu.memory_space<vmem>>, %arg4: memref<1x128xf32, #tpu.memory_space<vmem>>, %arg5: memref<1x128xf32, #tpu.memory_space<vmem>>, %arg6: memref<16x384xf32, #tpu.memory_space<vmem>>) attributes {dimension_semantics = [#tpu.dimension_semantics<arbitrary>], iteration_bounds = array<i64: 16>, scalar_prefetch = 0 : i64, scratch_operands = 0 : i64, tpu.core_type = #tpu.core_type<tc>, window_params = [{transform_indices = @transform_0, window_bounds = array<i64: 1, 512, 256>}, {pipeline_mode = #tpu.pipeline_mode<synchronous>, transform_indices = @transform_1, window_bounds = array<i64: 256, 1536>}, {pipeline_mode = #tpu.pipeline_mode<synchronous>, transform_indices = @transform_2, window_bounds = array<i64: 1, 128>}, {pipeline_mode = #tpu.pipeline_mode<synchronous>, transform_indices = @transform_3, window_bounds = array<i64: 1, 128>}, {pipeline_mode = #tpu.pipeline_mode<synchronous>, transform_indices = @transform_4, window_bounds = array<i64: 1, 128>}, {pipeline_mode = #tpu.pipeline_mode<synchronous>, transform_indices = @transform_5, window_bounds = array<i64: 16, 384>}]} {
    %get3A = arith.constant 0 : index
    %get3A_0 = arith.constant 0 : index
    %get3A_1 = arith.constant 0 : index
    %get3A_2 = vector.load %arg1[%get3A, %get3A_0, %get3A_1] : memref<1x512x256xf32, #tpu.memory_space<vmem>>, vector<1x512x256xf32>
    %get3A_3 = vector.shape_cast %get3A_2 : vector<1x512x256xf32> to vector<512x256xf32>
    %get3A_4 = arith.constant 0 : index
    %get3A_5 = arith.constant 0 : index
    %get3A_6 = vector.load %arg2[%get3A_4, %get3A_5] : memref<256x1536xf32, #tpu.memory_space<vmem>>, vector<256x1536xf32>
    %dot_general3A = arith.constant dense<0.000000e+00> : vector<512x1536xf32>
    %dot_general3A_7 = tpu.matmul %get3A_3, %get3A_6, %dot_general3A {dimension_numbers = #tpu.dot_dimension_numbers<[1], [0], [0], [1], [0, 0, 1, 1], [], []>, transpose_lhs_hint = false} : vector<512x256xf32>, vector<256x1536xf32>, vector<512x1536xf32> -> vector<512x1536xf32>
    %slice3A = vector.extract_strided_slice %dot_general3A_7 {offsets = [0, 0], sizes = [510, 128], strides = [1, 1]} : vector<512x1536xf32> to vector<510x128xf32>
    %slice3A_8 = vector.extract_strided_slice %dot_general3A_7 {offsets = [1, 128], sizes = [510, 128], strides = [1, 1]} : vector<512x1536xf32> to vector<510x128xf32>
    %add3A = arith.addf %slice3A, %slice3A_8 : vector<510x128xf32>
    %slice3A_9 = vector.extract_strided_slice %dot_general3A_7 {offsets = [2, 256], sizes = [510, 128], strides = [1, 1]} : vector<512x1536xf32> to vector<510x128xf32>
    %add3A_10 = arith.addf %add3A, %slice3A_9 : vector<510x128xf32>
    %reduce_max3A = arith.constant dense<0xFF800000> : vector<128xf32>
    %reduce_max3A_11 = vector.multi_reduction <maximumf>, %add3A_10, %reduce_max3A [0] : vector<510x128xf32> to vector<128xf32>
    %broadcast_in_dim3A = vector.shape_cast %reduce_max3A_11 : vector<128xf32> to vector<1x128xf32>
    %get3A_12 = arith.constant 0 : index
    %get3A_13 = arith.constant 0 : index
    %get3A_14 = vector.load %arg3[%get3A_12, %get3A_13] : memref<1x128xf32, #tpu.memory_space<vmem>>, vector<1x128xf32>
    %add3A_15 = arith.addf %broadcast_in_dim3A, %get3A_14 : vector<1x128xf32>
    %slice3A_16 = vector.extract_strided_slice %dot_general3A_7 {offsets = [0, 384], sizes = [509, 128], strides = [1, 1]} : vector<512x1536xf32> to vector<509x128xf32>
    %slice3A_17 = vector.extract_strided_slice %dot_general3A_7 {offsets = [1, 512], sizes = [509, 128], strides = [1, 1]} : vector<512x1536xf32> to vector<509x128xf32>
    %add3A_18 = arith.addf %slice3A_16, %slice3A_17 : vector<509x128xf32>
    %slice3A_19 = vector.extract_strided_slice %dot_general3A_7 {offsets = [2, 640], sizes = [509, 128], strides = [1, 1]} : vector<512x1536xf32> to vector<509x128xf32>
    %add3A_20 = arith.addf %add3A_18, %slice3A_19 : vector<509x128xf32>
    %slice3A_21 = vector.extract_strided_slice %dot_general3A_7 {offsets = [3, 768], sizes = [509, 128], strides = [1, 1]} : vector<512x1536xf32> to vector<509x128xf32>
    %add3A_22 = arith.addf %add3A_20, %slice3A_21 : vector<509x128xf32>
    %reduce_max3A_23 = arith.constant dense<0xFF800000> : vector<128xf32>
    %reduce_max3A_24 = vector.multi_reduction <maximumf>, %add3A_22, %reduce_max3A_23 [0] : vector<509x128xf32> to vector<128xf32>
    %broadcast_in_dim3A_25 = vector.shape_cast %reduce_max3A_24 : vector<128xf32> to vector<1x128xf32>
    %get3A_26 = arith.constant 0 : index
    %get3A_27 = arith.constant 0 : index
    %get3A_28 = vector.load %arg4[%get3A_26, %get3A_27] : memref<1x128xf32, #tpu.memory_space<vmem>>, vector<1x128xf32>
    %add3A_29 = arith.addf %broadcast_in_dim3A_25, %get3A_28 : vector<1x128xf32>
    %slice3A_30 = vector.extract_strided_slice %dot_general3A_7 {offsets = [0, 896], sizes = [508, 128], strides = [1, 1]} : vector<512x1536xf32> to vector<508x128xf32>
    %slice3A_31 = vector.extract_strided_slice %dot_general3A_7 {offsets = [1, 1024], sizes = [508, 128], strides = [1, 1]} : vector<512x1536xf32> to vector<508x128xf32>
    %add3A_32 = arith.addf %slice3A_30, %slice3A_31 : vector<508x128xf32>
    %slice3A_33 = vector.extract_strided_slice %dot_general3A_7 {offsets = [2, 1152], sizes = [508, 128], strides = [1, 1]} : vector<512x1536xf32> to vector<508x128xf32>
    %add3A_34 = arith.addf %add3A_32, %slice3A_33 : vector<508x128xf32>
    %slice3A_35 = vector.extract_strided_slice %dot_general3A_7 {offsets = [3, 1280], sizes = [508, 128], strides = [1, 1]} : vector<512x1536xf32> to vector<508x128xf32>
    %add3A_36 = arith.addf %add3A_34, %slice3A_35 : vector<508x128xf32>
    %slice3A_37 = vector.extract_strided_slice %dot_general3A_7 {offsets = [4, 1408], sizes = [508, 128], strides = [1, 1]} : vector<512x1536xf32> to vector<508x128xf32>
    %add3A_38 = arith.addf %add3A_36, %slice3A_37 : vector<508x128xf32>
    %reduce_max3A_39 = arith.constant dense<0xFF800000> : vector<128xf32>
    %reduce_max3A_40 = vector.multi_reduction <maximumf>, %add3A_38, %reduce_max3A_39 [0] : vector<508x128xf32> to vector<128xf32>
    %broadcast_in_dim3A_41 = vector.shape_cast %reduce_max3A_40 : vector<128xf32> to vector<1x128xf32>
    %get3A_42 = arith.constant 0 : index
    %get3A_43 = arith.constant 0 : index
    %get3A_44 = vector.load %arg5[%get3A_42, %get3A_43] : memref<1x128xf32, #tpu.memory_space<vmem>>, vector<1x128xf32>
    %add3A_45 = arith.addf %broadcast_in_dim3A_41, %get3A_44 : vector<1x128xf32>
    %concatenate3A = tpu.concatenate %add3A_15, %add3A_29, %add3A_45 in 1 : vector<1x128xf32>, vector<1x128xf32>, vector<1x128xf32> -> vector<1x384xf32>
    %max3A = arith.constant 0.000000e+00 : f32
    %max3A_46 = vector.broadcast %max3A : f32 to vector<1x384xf32>
    %max3A_47 = arith.maximumf %concatenate3A, %max3A_46 : vector<1x384xf32>
    %reduce_max3A_48 = arith.constant dense<0xFF800000> : vector<1xf32>
    %reduce_max3A_49 = vector.multi_reduction <maximumf>, %max3A_47, %reduce_max3A_48 [1] : vector<1x384xf32> to vector<1xf32>
    %broadcast_in_dim3A_50 = vector.shape_cast %reduce_max3A_49 : vector<1xf32> to vector<1x1xf32>
    %sub3A = vector.broadcast %broadcast_in_dim3A_50 : vector<1x1xf32> to vector<1x384xf32>
    %sub3A_51 = arith.subf %max3A_47, %sub3A : vector<1x384xf32>
    %sub3A_52 = vector.broadcast %broadcast_in_dim3A_50 : vector<1x1xf32> to vector<1x384xf32>
    %sub3A_53 = arith.subf %max3A_47, %sub3A_52 : vector<1x384xf32>
    %exp3A = math.exp %sub3A_53 : vector<1x384xf32>
    %reduce_sum3A = arith.constant dense<0.000000e+00> : vector<1xf32>
    %reduce_sum3A_54 = vector.multi_reduction <add>, %exp3A, %reduce_sum3A [1] : vector<1x384xf32> to vector<1xf32>
    %broadcast_in_dim3A_55 = vector.shape_cast %reduce_sum3A_54 : vector<1xf32> to vector<1x1xf32>
    %log3A = math.log %broadcast_in_dim3A_55 : vector<1x1xf32>
    %sub3A_56 = vector.broadcast %log3A : vector<1x1xf32> to vector<1x384xf32>
    %sub3A_57 = arith.subf %sub3A_51, %sub3A_56 : vector<1x384xf32>
    %swap3A = arith.index_cast %arg0 : i32 to index
    %swap3A_58 = arith.constant 0 : index
    %swap3A_59 = vector.load %arg6[%swap3A, %swap3A_58] : memref<16x384xf32, #tpu.memory_space<vmem>>, vector<1x384xf32>
    tpu.vector_store %arg6[%swap3A, %swap3A_58], %sub3A_57 {strides = array<i32>} : memref<16x384xf32, #tpu.memory_space<vmem>>, vector<1x384xf32>,
    return
  }
  func.func @transform_0(%arg0: i32) -> (i32, i32, i32) {
    %c0_i32 = arith.constant 0 : i32
    %c0_i32_0 = arith.constant 0 : i32
    %c0_i32_1 = arith.constant 0 : i32
    return %arg0, %c0_i32, %c0_i32_0 : i32, i32, i32
  }
  func.func @transform_1(%arg0: i32) -> (i32, i32) {
    %c0_i32 = arith.constant 0 : i32
    %c0_i32_0 = arith.constant 0 : i32
    %c0_i32_1 = arith.constant 0 : i32
    return %c0_i32, %c0_i32_0 : i32, i32
  }
  func.func @transform_2(%arg0: i32) -> (i32, i32) {
    %c0_i32 = arith.constant 0 : i32
    %c0_i32_0 = arith.constant 0 : i32
    %c0_i32_1 = arith.constant 0 : i32
    return %c0_i32, %c0_i32_0 : i32, i32
  }
  func.func @transform_3(%arg0: i32) -> (i32, i32) {
    %c0_i32 = arith.constant 0 : i32
    %c0_i32_0 = arith.constant 0 : i32
    %c0_i32_1 = arith.constant 0 : i32
    return %c0_i32, %c0_i32_0 : i32, i32
  }
  func.func @transform_4(%arg0: i32) -> (i32, i32) {
    %c0_i32 = arith.constant 0 : i32
    %c0_i32_0 = arith.constant 0 : i32
    %c0_i32_1 = arith.constant 0 : i32
    return %c0_i32, %c0_i32_0 : i32, i32
  }
  func.func @transform_5(%arg0: i32) -> (i32, i32) {
    %c0_i32 = arith.constant 0 : i32
    %c0_i32_0 = arith.constant 0 : i32
    %c0_i32_1 = arith.constant 0 : i32
    return %c0_i32, %c0_i32_0 : i32, i32
  }
}

module attributes {stable_mosaic.version = 14 : i64} {
  func.func @_tc_final_body(%arg0: i32, %arg1: memref<1x400x128xf32, #tpu.memory_space<vmem>>, %arg2: memref<1x400x128xf32, #tpu.memory_space<vmem>>, %arg3: memref<128x384xf32, #tpu.memory_space<vmem>>, %arg4: memref<1x384xf32, #tpu.memory_space<vmem>>, %arg5: memref<400x384xf32, #tpu.memory_space<vmem>>) attributes {dimension_semantics = [#tpu.dimension_semantics<arbitrary>], iteration_bounds = array<i64: 25>, scalar_prefetch = 0 : i64, scratch_operands = 0 : i64, tpu.core_type = #tpu.core_type<tc>, window_params = [{transform_indices = @transform_0, window_bounds = array<i64: 1, 400, 128>}, {transform_indices = @transform_1, window_bounds = array<i64: 1, 400, 128>}, {pipeline_mode = #tpu.pipeline_mode<synchronous>, transform_indices = @transform_2, window_bounds = array<i64: 128, 384>}, {pipeline_mode = #tpu.pipeline_mode<synchronous>, transform_indices = @transform_3, window_bounds = array<i64: 1, 384>}, {transform_indices = @transform_4, window_bounds = array<i64: 400, 384>}]} {
    %get3A = arith.constant 0 : index
    %get3A_0 = arith.constant 0 : index
    %get3A_1 = arith.constant 0 : index
    %get3A_2 = vector.load %arg1[%get3A, %get3A_0, %get3A_1] : memref<1x400x128xf32, #tpu.memory_space<vmem>>, vector<1x400x128xf32>
    %get3A_3 = vector.shape_cast %get3A_2 : vector<1x400x128xf32> to vector<400x128xf32>
    %get3A_4 = arith.constant 0 : index
    %get3A_5 = arith.constant 0 : index
    %get3A_6 = arith.constant 0 : index
    %get3A_7 = vector.load %arg2[%get3A_4, %get3A_5, %get3A_6] : memref<1x400x128xf32, #tpu.memory_space<vmem>>, vector<1x400x128xf32>
    %get3A_8 = vector.shape_cast %get3A_7 : vector<1x400x128xf32> to vector<400x128xf32>
    %add3A = arith.addf %get3A_3, %get3A_8 : vector<400x128xf32>
    %get3A_9 = arith.constant 0 : index
    %get3A_10 = arith.constant 0 : index
    %get3A_11 = vector.load %arg3[%get3A_9, %get3A_10] : memref<128x384xf32, #tpu.memory_space<vmem>>, vector<128x384xf32>
    %dot_general3A = arith.constant dense<0.000000e+00> : vector<400x384xf32>
    %dot_general3A_12 = tpu.matmul %add3A, %get3A_11, %dot_general3A {dimension_numbers = #tpu.dot_dimension_numbers<[1], [0], [0], [1], [0, 0, 1, 1], [], []>, transpose_lhs_hint = false} : vector<400x128xf32>, vector<128x384xf32>, vector<400x384xf32> -> vector<400x384xf32>
    %get3A_13 = arith.constant 0 : index
    %get3A_14 = arith.constant 0 : index
    %get3A_15 = vector.load %arg4[%get3A_13, %get3A_14] : memref<1x384xf32, #tpu.memory_space<vmem>>, vector<1x384xf32>
    %add3A_16 = vector.broadcast %get3A_15 : vector<1x384xf32> to vector<400x384xf32>
    %add3A_17 = arith.addf %dot_general3A_12, %add3A_16 : vector<400x384xf32>
    %reduce_max3A = arith.constant dense<0xFF800000> : vector<400xf32>
    %reduce_max3A_18 = vector.multi_reduction <maximumf>, %add3A_17, %reduce_max3A [1] : vector<400x384xf32> to vector<400xf32>
    %broadcast_in_dim3A = vector.shape_cast %reduce_max3A_18 : vector<400xf32> to vector<400x1xf32>
    %sub3A = vector.broadcast %broadcast_in_dim3A : vector<400x1xf32> to vector<400x384xf32>
    %sub3A_19 = arith.subf %add3A_17, %sub3A : vector<400x384xf32>
    %sub3A_20 = vector.broadcast %broadcast_in_dim3A : vector<400x1xf32> to vector<400x384xf32>
    %sub3A_21 = arith.subf %add3A_17, %sub3A_20 : vector<400x384xf32>
    %exp3A = math.exp %sub3A_21 : vector<400x384xf32>
    %reduce_sum3A = arith.constant dense<0.000000e+00> : vector<400xf32>
    %reduce_sum3A_22 = vector.multi_reduction <add>, %exp3A, %reduce_sum3A [1] : vector<400x384xf32> to vector<400xf32>
    %broadcast_in_dim3A_23 = vector.shape_cast %reduce_sum3A_22 : vector<400xf32> to vector<400x1xf32>
    %log3A = math.log %broadcast_in_dim3A_23 : vector<400x1xf32>
    %sub3A_24 = vector.broadcast %log3A : vector<400x1xf32> to vector<400x384xf32>
    %sub3A_25 = arith.subf %sub3A_19, %sub3A_24 : vector<400x384xf32>
    %swap3A = arith.constant 0 : index
    %swap3A_26 = arith.constant 0 : index
    %swap3A_27 = vector.load %arg5[%swap3A, %swap3A_26] : memref<400x384xf32, #tpu.memory_space<vmem>>, vector<400x384xf32>
    tpu.vector_store %arg5[%swap3A, %swap3A_26], %sub3A_25 {strides = array<i32>} : memref<400x384xf32, #tpu.memory_space<vmem>>, vector<400x384xf32>,
    return
  }
  func.func @transform_0(%arg0: i32) -> (i32, i32, i32) {
    %c0_i32 = arith.constant 0 : i32
    %c0_i32_0 = arith.constant 0 : i32
    %c0_i32_1 = arith.constant 0 : i32
    return %c0_i32, %arg0, %c0_i32_0 : i32, i32, i32
  }
  func.func @transform_1(%arg0: i32) -> (i32, i32, i32) {
    %c1_i32 = arith.constant 1 : i32
    %c0_i32 = arith.constant 0 : i32
    %c0_i32_0 = arith.constant 0 : i32
    return %c1_i32, %arg0, %c0_i32 : i32, i32, i32
  }
  func.func @transform_2(%arg0: i32) -> (i32, i32) {
    %c0_i32 = arith.constant 0 : i32
    %c0_i32_0 = arith.constant 0 : i32
    %c0_i32_1 = arith.constant 0 : i32
    return %c0_i32, %c0_i32_0 : i32, i32
  }
  func.func @transform_3(%arg0: i32) -> (i32, i32) {
    %c0_i32 = arith.constant 0 : i32
    %c0_i32_0 = arith.constant 0 : i32
    %c0_i32_1 = arith.constant 0 : i32
    return %c0_i32, %c0_i32_0 : i32, i32
  }
  func.func @transform_4(%arg0: i32) -> (i32, i32) {
    %c0_i32 = arith.constant 0 : i32
    %c0_i32_0 = arith.constant 0 : i32
    return %arg0, %c0_i32 : i32, i32
  }
}

</mosaic_0001>

<sc_bundles>
// kernel: kernel.10.cloned.1.call-start
scs
__scs_entry_jumppad:
0x0: {  	(pc) =	sbr.rel $0x88, $3  }
0x1: {  	(tag) =	ssettag $0x0;
	lr =	simm.s32 $0x1  }
0x2: {  	[smem:$0x3F93] =	sst lr;
	_ =	strace $0xD0000000  }
0x3: {  	_ = 	snop  }
0x4: {  	_ = 	snop  }
0x5: {  	_ = 	snop  }
0x6: {  	_ = 	snop  }
0x7: {  	_ = 	snop  }
__scs_overlays_trampoline_lowered:
0x8: {  	[smem:$0x3FA2] =	sst s0  }
0x9: {  	[smem:$0x3FA3] =	sst s1  }
0xa: {  	[smem:$0x3FA4] =	sst s2  }
0xb: {  	[smem:$0x3FA5] =	sst s3  }
0xc: {  	[smem:$0x3FA6] =	sst s4  }
0xd: {  	[smem:$0x3FA7] =	sst s5  }
0xe: {  	[smem:$0x3FA8] =	sst s6  }
0xf: {  	[smem:$0x3FA9] =	sst s7  }
0x10: {  	[smem:$0x3FAA] =	sst s8  }
0x11: {  	[smem:$0x3FAB] =	sst s9;
	s0 =	simm.s32 @!p0 $0x0  }
0x12: {  	s1 =	sld [smem:$0x3F91];
	s0 =	simm.s32 @p0 $0x1  }
0x13: {  	[smem:$0x3FAC] =	sst s0;
	s0 =	simm.s32 @!p1 $0x0  }
0x14: {  	s2 =	sld [smem:$0x3F90];
	s0 =	simm.s32 @p1 $0x1  }
0x15: {  	[smem:$0x3FAD] =	sst s0;
	s0 =	simm.s32 @!p2 $0x0  }
0x16: {  	s3 =	sld [smem:$0x3FDB];
	s0 =	simm.s32 @p2 $0x1  }
0x17: {  	s4 =	simm.s32 $0x1BF5;
	[smem:$0x3FAF] =	sst s0  }
0x18: {  	s0 =	sld [smem:$0x3F92];
	_ =	swait.ge [sflag:s4], $0x0  }
0x19: {  	s7 =	sld [smem:$0x3F93]  }
0x1a: {  	s8 =	sadd.s32 $0xFFFFE003, lr  }
0x1b: {  	s9 =	sadd.s32 $0xFFFFFEF7, lr;
	s5 =	simm.s32 $0xFFFFFFFF;
	p2 =	slt.u32 s8, $0xFFFFF086  }
0x1c: {  	p1 =	slt.u32 s9, $0xF7A;
	s5 =	simm.s32 @!p2 $0x0  }
0x1d: {  	s5 =	simm.s32 @p1 $0x1;
	p0 =	seq.s32 s7, s2  }
0x1e: {  	s7 =	smul.u32 @!p0 $0xF7A, s2;
	p2 =	seq.s32 @!p0 s5, $0x0  }
0x1f: {  	s9 =	smul.u32 $0xF7A, s1;
	s8 =	simm.s32 @!p0 $0x1BF5;
	p2 =	por !p2, p0  }
0x20: {  	[sflag:s8] =	ssyncset.s32 @!p0 $0xFFFFF086;
	s6 =	sadd.s32 @!p0 s3, s7;
	s7 =	simm.s32 @!p0 $0x108  }
0x21: {  	s3 =	sadd.s32 s3, s9;
	s6 =	sadd.s32 @!p0 $0x88, s6;
	s7 =	simm.s32 @p2 $0x1082  }
0x22: {  	[simem:s7], [sflag:s8] =	dma.local @!p0 [hbm:s6], $0xF7A  }
0x23: {  	s9 =	sor.u32 $0xD0000000, s2;
	s6 =	simm.s32 $0x108;
	_ =	swait.ge @!p0 [sflag:s8], $0x0  }
0x24: {  	s3 =	sadd.s32 $0x88, s3;
	s6 =	simm.s32 @!p1 $0x1082;
	[sflag:s4] =	ssyncset.s32 $0xFFFFF086  }
0x25: {  	[simem:s6], [sflag:s4] =	dma.local [hbm:s3], $0xF7A  }
0x26: {  	[smem:$0x3F93] =	sst s1;
	(tag) =	ssettag s2;
	_ =	strace s9  }
0x27: {  	s1 =	sld [smem:$0x3FA3]  }
0x28: {  	s2 =	sld [smem:$0x3FA4]  }
0x29: {  	s4 =	sld [smem:$0x3FA6]  }
0x2a: {  	p0 =	seq.s32 s5, $0x0;
	s5 =	sld [smem:$0x3FA7]  }
0x2b: {  	s6 =	sld [smem:$0x3FA8]  }
0x2c: {  	s7 =	sld [smem:$0x3FA9]  }
0x2d: {  	s3 =	simm.s32 $0x108;
	s8 =	sld [smem:$0x3FAA]  }
0x2e: {  	s3 =	simm.s32 @!p0 $0x1082;
	s9 =	sld [smem:$0x3FAB]  }
0x2f: {  	lr =	sadd.s32 s0, s3;
	s0 =	sld [smem:$0x3FA2]  }
0x30: {  	s3 =	sld [smem:$0x3FA5]  }
0x31: {  	[smem:$0x3FAE] =	sst s10  }
0x32: {  	s10 =	sld [smem:$0x3FAC];
	_ =	sdelay $0x3  }
0x33: {  	p0 =	seq.s32 s10, $0x1;
	s10 =	sld [smem:$0x3FAE];
	_ =	sdelay $0x3  }
0x34: {  	[smem:$0x3FAE] =	sst s10  }
0x35: {  	s10 =	sld [smem:$0x3FAD];
	_ =	sdelay $0x3  }
0x36: {  	p1 =	seq.s32 s10, $0x1;
	s10 =	sld [smem:$0x3FAE];
	_ =	sdelay $0x3  }
0x37: {  	[smem:$0x3FAE] =	sst s10  }
0x38: {  	s10 =	sld [smem:$0x3FAF]  }
0x39: {  	_ = 	snop;
	(pc) =	sbr.ind lr, $3  }
0x3a: {  	_ = 	snop  }
0x3b: {  	_ = 	snop  }
0x3c: {  	p2 =	seq.s32 s10, $0x1;
	s10 =	sld [smem:$0x3FAE]  }
0x3d: {  	_ =	shalt  }
0x3e: {  	_ =	shalt  }
0x3f: {  	_ =	shalt  }
0x40: {  	_ =	shalt  }
0x41: {  	_ =	shalt  }
0x42: {  	_ =	shalt  }
0x43: {  	_ =	shalt  }
0x44: {  	_ =	shalt  }
0x45: {  	_ =	shalt  }
0x46: {  	_ =	shalt  }
0x47: {  	_ =	shalt  }
0x48: {  	_ =	shalt  }
0x49: {  	_ =	shalt  }
0x4a: {  	_ =	shalt  }
0x4b: {  	_ =	shalt  }
0x4c: {  	_ =	shalt  }
0x4d: {  	_ =	shalt  }
0x4e: {  	_ =	shalt  }
0x4f: {  	_ =	shalt  }
0x50: {  	_ =	shalt  }
0x51: {  	_ =	shalt  }
0x52: {  	_ =	shalt  }
0x53: {  	_ =	shalt  }
0x54: {  	_ =	shalt  }
0x55: {  	_ =	shalt  }
0x56: {  	_ =	shalt  }
0x57: {  	_ =	shalt  }
0x58: {  	_ =	shalt  }
0x59: {  	_ =	shalt  }
0x5a: {  	_ =	shalt  }
0x5b: {  	_ =	shalt  }
0x5c: {  	_ =	shalt  }
0x5d: {  	_ =	shalt  }
0x5e: {  	_ =	shalt  }
0x5f: {  	_ =	shalt  }
0x60: {  	_ =	shalt  }
0x61: {  	_ =	shalt  }
0x62: {  	_ =	shalt  }
0x63: {  	_ =	shalt  }
0x64: {  	_ =	shalt  }
0x65: {  	_ =	shalt  }
0x66: {  	_ =	shalt  }
0x67: {  	_ =	shalt  }
0x68: {  	_ =	shalt  }
0x69: {  	_ =	shalt  }
0x6a: {  	_ =	shalt  }
0x6b: {  	_ =	shalt  }
0x6c: {  	_ =	shalt  }
0x6d: {  	_ =	shalt  }
0x6e: {  	_ =	shalt  }
0x6f: {  	_ =	shalt  }
0x70: {  	_ =	shalt  }
0x71: {  	_ =	shalt  }
0x72: {  	_ =	shalt  }
0x73: {  	_ =	shalt  }
0x74: {  	_ =	shalt  }
0x75: {  	_ =	shalt  }
0x76: {  	_ =	shalt  }
0x77: {  	_ =	shalt  }
0x78: {  	_ =	shalt  }
0x79: {  	_ =	shalt  }
0x7a: {  	_ =	shalt  }
0x7b: {  	_ =	shalt  }
0x7c: {  	_ =	shalt  }
0x7d: {  	_ =	shalt  }
0x7e: {  	_ =	shalt  }
0x7f: {  	_ =	shalt  }
0x80: {  	_ =	shalt  }
0x81: {  	_ =	shalt  }
0x82: {  	_ =	shalt  }
0x83: {  	_ =	shalt  }
0x84: {  	_ =	shalt  }
0x85: {  	_ =	shalt  }
0x86: {  	_ =	shalt  }
0x87: {  	_ =	shalt  }
.Lfunc_end0:
.L_simem_size_0:
called_computation_lowered:
.L_overlay_start_0:
0x88: {  	s2 =	sld [smem:$0x3FD9]  }
0x89: {  	s3 =	sld [smem:$0x3FFE];
	_ =	sdelay $0x1  }
0x8a: {  	s1 =	srdreg.scid  }
0x8b: {  	s0 =	sand.u32 $0x1, s1  }
0x8c: {  	s17 =	sshll.u32 s0, $0xA;
	s2 =	sadd.s32 s3, s2  }
0x8d: {  	s2 =	sadd.s32 s2, s17  }
0x8e: {  	[smem:$0x3FBA] =	sst s2  }
0x8f: {  	_ = 	snop  }
0x90: {  	(tm) =	ssettm $0x1  }
0x91: {  	s18 =	sld [smem:$0x3FFB];
	_ =	sdelay $0x3  }
0x92: {  	_ =	strace s18  }
0x93: {  	s2 =	sld [smem:$0x3FFC];
	_ =	sdelay $0x3  }
0x94: {  	_ =	strace s2  }
0x95: {  	s2 =	sld [smem:$0x3FFD];
	_ =	sdelay $0x3  }
0x96: {  	_ =	strace s2  }
0x97: {  	_ =	strace $0x8FFFFFFF  }
0x98: {  	s19 =	sld [smem:$0x3FDB];
	_ =	sdelay $0x1  }
0x99: {  	s20 =	simm.s32 $_scs_section_size  }
0x9a: {  	s4 =	simm.s32 $_size__tile_overlayer_lowered;
	s5 =	simm.s32 $_tile_overlayer_lowered  }
0x9b: {  	s6 =	simm.s32 $0x1BFF;
	s21 =	sshll.u32 s5, $0x1;
	s3 =	sadd.s32 s20, s19  }
0x9c: {  	s22 =	simm.s32 $0x0;
	s4 =	sshll.u32 s4, $0x1;
	s5 =	sadd.s32 s21, s3  }
0x9d: {  	[timem:s22], [sflag:s6] =	dma.local [hbm:s5], s4  }
0x9e: {  	_ =	swait.ge [sflag:s6], s4  }
0x9f: {  	s4 =	ssub.s32 $0x0, s4;
	[sflag:s6] =	ssyncset.done $0x0  }
0xa0: {  	[sflag:s6] =	ssyncadd.s32 s4;
	_ =	sdelay $0x1  }
0xa1: {  	s23 =	simm.s32 $0x1B8B  }
0xa2: {  	_ =	swait.ge [sflag:s23], $0x1  }
0xa3: {  	[sflag:s23] =	ssyncset.done $0x0  }
0xa4: {  	[sflag:s23] =	ssyncadd.s32 $0xFFFFFFFF  }
0xa5: {  	s4 =	sld [smem:$0x0]  }
0xa6: {  	s5 =	sand.u32 $0xFFFFFFFE, s1  }
0xa7: {  	p0 =	sne.s32 s1, s5  }
0xa8: {  	s5 =	sshll.u32 @p0 s5, $0xE  }
0xa9: {  	s5 =	sadd.s32 @p0 $0x11B8D, s5;
	s6 =	sshll.u32 @p0 s4, $0x11  }
0xaa: {  	s5 =	sor.u32 @p0 s6, s5  }
0xab: {  	[sflag:s5] =	ssyncadd.remote.s32 @p0 $0x1;
	_ =	sdelay $0x1  }
0xac: {  	s5 =	simm.s32 @p0 $0x1B8D  }
0xad: {  	_ =	swait.eq @p0 [sflag:s5], $0x1  }
0xae: {  	[sflag:s5] =	ssyncadd.s32 @p0 $0xFFFFFFFF  }
0xaf: {  	s6 =	sshll.u32 @!p0 s1, $0xE  }
0xb0: {  	s6 =	sor.u32 @!p0 $0x4000, s6;
	s5 =	simm.s32 @!p0 $0x1B8D  }
0xb1: {  	s4 =	sshll.u32 @!p0 s4, $0x11;
	s6 =	sadd.s32 @!p0 $0x11B8D, s6;
	_ =	swait.eq @!p0 [sflag:s5], $0x1  }
0xb2: {  	s4 =	sor.u32 @!p0 s4, s6;
	[sflag:s5] =	ssyncadd.s32 @!p0 $0xFFFFFFFF  }
0xb3: {  	s25 =	simm.s32 $0x1B8E;
	s24 =	sld [smem:$0x3FFE];
	[sflag:s4] =	ssyncadd.remote.s32 @!p0 $0x1  }
0xb4: {  	s26 =	simm.s32 $execute0_lowered;
	[smem:$0x3FD2] =	sst s25  }
0xb5: {  	s5 =	sshll.u32 s26, $0x1;
	_ =	strace $0x80000049;
	[dreg:$0x1] =	wrdreg $0xFFFFFFFF  }
0xb6: {  	s28 =	simm.s32 $_size_execute0_lowered;
	s3 =	sadd.s32 s3, s5;
	[dreg:$0x0] =	wrdreg $0x0  }
0xb7: {  	s5 =	sshll.u32 s28, $0x1;
	[dreg:$0x2] =	wrdreg s3  }
0xb8: {  	[dreg:$0x3] =	wrdreg s5  }
0xb9: {  	[dreg:$0x4] =	wrdreg $0xC0  }
0xba: {  	_ =	task [dreg:s22], $0x5FFFF  }
0xbb: {  	[dreg:$0x1] =	wrdreg $0xFFFFFFFF  }
0xbc: {  	[dreg:$0x0] =	wrdreg $0x60  }
0xbd: {  	[dreg:$0x2] =	wrdreg s24  }
0xbe: {  	[dreg:$0x3] =	wrdreg $0x9  }
0xbf: {  	_ =	task.clear_ibuf [dreg:s22], $0x4FFFF;
	_ =	strace $0x90000049  }
0xc0: {  	s29 =	simm.s32 $0x9;
	_ =	strace $0x8000004B  }
0xc1: {  	_ =	swait.ge [sflag:s29], $0x1  }
0xc2: {  	[sflag:s29] =	ssyncadd.s32 $0xFFFFFFFF  }
0xc3: {  	_ =	strace $0x9000004B  }
0xc4: {  	_ =	sfence  }
0xc5: {  	s30 =	sld [smem:$0x0];
	_ =	sdelay $0x2  }
0xc6: {  	s31 =	sshll.u32 s1, $0xD;
	s1 =	sshrl.u32 s1, $0x2  }
0xc7: {  	s4 =	sand.u32 $0x4000, s31;
	s1 =	sadd.s32 s1, s30  }
0xc8: {  	s0 =	sor.u32 s4, s0;
	s1 =	sshll.u32 s1, $0x11  }
0xc9: {  	s0 =	sor.u32 s1, s0  }
0xca: {  	s0 =	sadd.s32 $0x8F2B, s0  }
0xcb: {  	[sflag:s0] =	ssyncadd.remote.s32 $0x1  }
0xcc: {  	_ =	sfence.sel $0xFFFF  }
0xcd: {  	[dreg:$0x0] =	wrdreg $0xFFFFFFFF;
	(pc) =	sbr.abs _section_cstart, $3  }
0xce: {  	[dreg:$0x1] =	wrdreg $0xFFFFFFFF  }
0xcf: {  	_ =	task.clear_ibuf [dreg:s22], $0x2FFFF;
	_ =	strace $0x9FFFFFFF  }
0xd0: {  	(tm) =	ssettm $0x7FFFFFFF  }
0xd1: {  	_ =	shalt  }
tec
execute0_lowered:
.L_overlay_start_1:
0x0: {  	(tag) =	ssettag $0x1  }
0x1: {  	s4 =	rddreg [dreg:$0x0]  }
0x2: {  	s0 =	rddreg [dreg:$0x1]  }
0x3: {  	s3 =	srdreg.scid;
	s2 =	simm.s32 $0x0;
	s1 =	stileid.u32  }
0x4: {  	s9 =	simm.s32 $0x100;
	s10 =	simm.s32 $0x900;
	s11 =	simm.s32 $0x1100  }
0x5: {  	s12 =	simm.s32 $0x1900;
	s13 =	simm.s32 $0x2100;
	s14 =	simm.s32 $0x2900  }
0x6: {  	s15 =	simm.s32 $0x3100;
	s16 =	simm.s32 $0x3900;
	s17 =	simm.s32 $0x4100  }
0x7: {  	s18 =	simm.s32 $0x4900;
	s19 =	simm.s32 $0x5100;
	s20 =	simm.s32 $0x5900  }
0x8: {  	s21 =	simm.s32 $0x6100;
	s22 =	simm.s32 $0x6900;
	s23 =	simm.s32 $0x7100  }
0x9: {  	s24 =	simm.s32 $0x7900;
	s25 =	simm.s32 $0x1;
	s5 =	sand.u32 $0x1, s3  }
0xa: {  	[smem:$0x7FF] =	sst s2;
	s6 =	sshll.u32 s1, $0x8;
	s3 =	sshll.u32 s5, $0xC  }
0xb: {  	_ =	strace $0x8000004A;
	s5 =	ssub.s32 $0x2, s5;
	s6 =	sor.u32 s6, s3  }
0xc: {  	s3 =	sadd.s32 $0x34DA00, s4;
	s7 =	sshrl.u32 s6, $0x3;
	s6 =	sshll.u32 s6, $0x5  }
0xd: {  	v2 =	vlaneseq.u32;
	s8 =	sshrl.u32 s5, $0x1;
	s7 =	sadd.s32 s7, s4;
	s6 =	sadd.s32 s6, s4  }
0xe: {  	vm0 =	vmmov $0xffff;
	v1 =	vshrl.u32 v2, $0x3;
	s8 =	ssub.s32 s5, s8;
	s4 =	sadd.s32 $0x40600, s7;
	s5 =	sadd.s32 $0x40A00, s6  }
0xf: {  	v0 =	vand.u32 $0x7, v2;
	v2 =	vor.u32 $0x8, v2;
	v1 =	vmul.u32 $0x8, v1;
	s6 =	sadd.s32 $0x41A00, s6;
	s7 =	smax.u32 s8, $0x1;
	s8 =	simm.s32 $0x2  }
.LBB2_1:
0x10: {  	[tilespmem:s2], [sflag:$0x2] =	stream.linear.gather [hbm4b:s4+s2], $0x100, $0x38;
	[tilespmem:$0x8100] =	vst v63  }
0x11: {  	_ =	swait.ge [sflag:s8], $0x100  }
0x12: {  	[sflag:s8] =	ssyncset.done $0x0  }
0x13: {  	[sflag:s8] =	ssyncadd.s32 $0xFFFFFF00  }
0x14: {  	v3 =	vld [tilespmem:$0x0];
	_ =	sdelay $0x4  }
0x15: {  	v4 =	vshll.u32 v3, $0x1  }
0x16: {  	v3 =	vand.u32 $0x7, v3;
	v4 =	vand.u32 $0xFFFFFFF0, v4  }
0x17: {  	v3 =	vor.u32 v3, v4  }
0x18: {  	v4 =	vperm.xlane v3, v0;
	_ =	sdelay $0x1  }
0x19: {  	v3 =	vperm.xlane v3, v2;
	v4 =	vadd.s32 v1, v4;
	_ =	sdelay $0x1  }
0x1a: {  	v3 =	vadd.s32 v1, v3;
	_ =	sdelay $0x2  }
0x1b: {  	[tilespmem:s9], [sflag:$0x1] =	stream.indirect_vreg.gather [hbm4b:s3+s2], $0x80, v4, vm0, $0xb8;
	[tilespmem:$0x8100] =	vst v63  }
0x1c: {  	_ = 	snop  }
0x1d: {  	[tilespmem:s10], [sflag:$0x1] =	stream.indirect_vreg.gather [hbm4b:s3+s2], $0x80, v3, vm0, $0xb8;
	[tilespmem:$0x8100] =	vst v63  }
0x1e: {  	v3 =	vld [tilespmem:$0x10];
	_ =	sdelay $0x4  }
0x1f: {  	v49 =	vshll.u32 v3, $0x1  }
0x20: {  	v3 =	vand.u32 $0x7, v3;
	v4 =	vand.u32 $0xFFFFFFF0, v49  }
0x21: {  	v3 =	vor.u32 v3, v4  }
0x22: {  	v4 =	vperm.xlane v3, v0;
	_ =	sdelay $0x1  }
0x23: {  	v3 =	vperm.xlane v3, v2;
	v4 =	vadd.s32 v1, v4;
	_ =	sdelay $0x1  }
0x24: {  	v3 =	vadd.s32 v1, v3;
	_ =	sdelay $0x2  }
0x25: {  	[tilespmem:s11], [sflag:$0x1] =	stream.indirect_vreg.gather [hbm4b:s3+s2], $0x80, v4, vm0, $0xb8;
	[tilespmem:$0x8100] =	vst v63  }
0x26: {  	_ = 	snop  }
0x27: {  	[tilespmem:s12], [sflag:$0x1] =	stream.indirect_vreg.gather [hbm4b:s3+s2], $0x80, v3, vm0, $0xb8;
	[tilespmem:$0x8100] =	vst v63  }
0x28: {  	v3 =	vld [tilespmem:$0x20];
	_ =	sdelay $0x4  }
0x29: {  	v50 =	vshll.u32 v3, $0x1  }
0x2a: {  	v3 =	vand.u32 $0x7, v3;
	v4 =	vand.u32 $0xFFFFFFF0, v50  }
0x2b: {  	v3 =	vor.u32 v3, v4  }
0x2c: {  	v4 =	vperm.xlane v3, v0;
	_ =	sdelay $0x1  }
0x2d: {  	v3 =	vperm.xlane v3, v2;
	v4 =	vadd.s32 v1, v4;
	_ =	sdelay $0x1  }
0x2e: {  	v3 =	vadd.s32 v1, v3;
	_ =	sdelay $0x2  }
0x2f: {  	[tilespmem:s13], [sflag:$0x1] =	stream.indirect_vreg.gather [hbm4b:s3+s2], $0x80, v4, vm0, $0xb8;
	[tilespmem:$0x8100] =	vst v63  }
0x30: {  	_ = 	snop  }
0x31: {  	[tilespmem:s14], [sflag:$0x1] =	stream.indirect_vreg.gather [hbm4b:s3+s2], $0x80, v3, vm0, $0xb8;
	[tilespmem:$0x8100] =	vst v63  }
0x32: {  	v3 =	vld [tilespmem:$0x30];
	_ =	sdelay $0x4  }
0x33: {  	v51 =	vshll.u32 v3, $0x1  }
0x34: {  	v3 =	vand.u32 $0x7, v3;
	v4 =	vand.u32 $0xFFFFFFF0, v51  }
0x35: {  	v3 =	vor.u32 v3, v4  }
0x36: {  	v4 =	vperm.xlane v3, v0;
	_ =	sdelay $0x1  }
0x37: {  	v3 =	vperm.xlane v3, v2;
	v4 =	vadd.s32 v1, v4;
	_ =	sdelay $0x1  }
0x38: {  	v3 =	vadd.s32 v1, v3;
	_ =	sdelay $0x2  }
0x39: {  	[tilespmem:s15], [sflag:$0x1] =	stream.indirect_vreg.gather [hbm4b:s3+s2], $0x80, v4, vm0, $0xb8;
	[tilespmem:$0x8100] =	vst v63  }
0x3a: {  	_ = 	snop  }
0x3b: {  	[tilespmem:s16], [sflag:$0x1] =	stream.indirect_vreg.gather [hbm4b:s3+s2], $0x80, v3, vm0, $0xb8;
	[tilespmem:$0x8100] =	vst v63  }
0x3c: {  	v3 =	vld [tilespmem:$0x40];
	_ =	sdelay $0x4  }
0x3d: {  	v52 =	vshll.u32 v3, $0x1  }
0x3e: {  	v3 =	vand.u32 $0x7, v3;
	v4 =	vand.u32 $0xFFFFFFF0, v52  }
0x3f: {  	v3 =	vor.u32 v3, v4  }
0x40: {  	v4 =	vperm.xlane v3, v0;
	_ =	sdelay $0x1  }
0x41: {  	v3 =	vperm.xlane v3, v2;
	v4 =	vadd.s32 v1, v4;
	_ =	sdelay $0x1  }
0x42: {  	v3 =	vadd.s32 v1, v3;
	_ =	sdelay $0x2  }
0x43: {  	[tilespmem:s17], [sflag:$0x1] =	stream.indirect_vreg.gather [hbm4b:s3+s2], $0x80, v4, vm0, $0xb8;
	[tilespmem:$0x8100] =	vst v63  }
0x44: {  	_ = 	snop  }
0x45: {  	[tilespmem:s18], [sflag:$0x1] =	stream.indirect_vreg.gather [hbm4b:s3+s2], $0x80, v3, vm0, $0xb8;
	[tilespmem:$0x8100] =	vst v63  }
0x46: {  	v3 =	vld [tilespmem:$0x50];
	_ =	sdelay $0x4  }
0x47: {  	v53 =	vshll.u32 v3, $0x1  }
0x48: {  	v3 =	vand.u32 $0x7, v3;
	v4 =	vand.u32 $0xFFFFFFF0, v53  }
0x49: {  	v3 =	vor.u32 v3, v4  }
0x4a: {  	v4 =	vperm.xlane v3, v0;
	_ =	sdelay $0x1  }
0x4b: {  	v3 =	vperm.xlane v3, v2;
	v4 =	vadd.s32 v1, v4;
	_ =	sdelay $0x1  }
0x4c: {  	v3 =	vadd.s32 v1, v3;
	_ =	sdelay $0x2  }
0x4d: {  	[tilespmem:s19], [sflag:$0x1] =	stream.indirect_vreg.gather [hbm4b:s3+s2], $0x80, v4, vm0, $0xb8;
	[tilespmem:$0x8100] =	vst v63  }
0x4e: {  	_ = 	snop  }
0x4f: {  	[tilespmem:s20], [sflag:$0x1] =	stream.indirect_vreg.gather [hbm4b:s3+s2], $0x80, v3, vm0, $0xb8;
	[tilespmem:$0x8100] =	vst v63  }
0x50: {  	v3 =	vld [tilespmem:$0x60];
	_ =	sdelay $0x4  }
0x51: {  	v54 =	vshll.u32 v3, $0x1  }
0x52: {  	v3 =	vand.u32 $0x7, v3;
	v4 =	vand.u32 $0xFFFFFFF0, v54  }
0x53: {  	v3 =	vor.u32 v3, v4  }
0x54: {  	v4 =	vperm.xlane v3, v0;
	_ =	sdelay $0x1  }
0x55: {  	v3 =	vperm.xlane v3, v2;
	v4 =	vadd.s32 v1, v4;
	_ =	sdelay $0x1  }
0x56: {  	v3 =	vadd.s32 v1, v3;
	_ =	sdelay $0x2  }
0x57: {  	[tilespmem:s21], [sflag:$0x1] =	stream.indirect_vreg.gather [hbm4b:s3+s2], $0x80, v4, vm0, $0xb8;
	[tilespmem:$0x8100] =	vst v63  }
0x58: {  	_ = 	snop  }
0x59: {  	[tilespmem:s22], [sflag:$0x1] =	stream.indirect_vreg.gather [hbm4b:s3+s2], $0x80, v3, vm0, $0xb8;
	[tilespmem:$0x8100] =	vst v63  }
0x5a: {  	v3 =	vld [tilespmem:$0x70];
	_ =	sdelay $0x4  }
0x5b: {  	v55 =	vshll.u32 v3, $0x1  }
0x5c: {  	v3 =	vand.u32 $0x7, v3;
	v4 =	vand.u32 $0xFFFFFFF0, v55  }
0x5d: {  	v3 =	vor.u32 v3, v4  }
0x5e: {  	v4 =	vperm.xlane v3, v0;
	_ =	sdelay $0x1  }
0x5f: {  	v3 =	vperm.xlane v3, v2;
	v4 =	vadd.s32 v1, v4;
	_ =	sdelay $0x1  }
0x60: {  	v3 =	vadd.s32 v1, v3;
	_ =	sdelay $0x2  }
0x61: {  	[tilespmem:s23], [sflag:$0x1] =	stream.indirect_vreg.gather [hbm4b:s3+s2], $0x80, v4, vm0, $0xb8;
	[tilespmem:$0x8100] =	vst v63  }
0x62: {  	_ = 	snop  }
0x63: {  	[tilespmem:s24], [sflag:$0x1] =	stream.indirect_vreg.gather [hbm4b:s3+s2], $0x80, v3, vm0, $0xb8;
	[tilespmem:$0x8100] =	vst v63  }
0x64: {  	_ =	swait.ge [sflag:s25], $0x8000  }
0x65: {  	[sflag:s25] =	ssyncset.done $0x0  }
0x66: {  	[sflag:s25] =	ssyncadd.s32 $0xFFFF8000  }
0x67: {  	[hbm4b:s5+s2] =	stream.linear.scatter [tilespmem:s9], [sflag:$0x2], $0x8000, $0x38;
	[tilespmem:$0x8100] =	vst v63  }
0x68: {  	_ =	swait.ge [sflag:s8], $0x8000  }
0x69: {  	[sflag:s8] =	ssyncset.done $0x0  }
0x6a: {  	[sflag:s8] =	ssyncadd.s32 $0xFFFF8000  }
0x6b: {  	v3 =	vld [tilespmem:$0x80];
	_ =	sdelay $0x4  }
0x6c: {  	v56 =	vshll.u32 v3, $0x1  }
0x6d: {  	v3 =	vand.u32 $0x7, v3;
	v4 =	vand.u32 $0xFFFFFFF0, v56  }
0x6e: {  	v3 =	vor.u32 v3, v4  }
0x6f: {  	v4 =	vperm.xlane v3, v0;
	_ =	sdelay $0x1  }
0x70: {  	v3 =	vperm.xlane v3, v2;
	v4 =	vadd.s32 v1, v4;
	_ =	sdelay $0x1  }
0x71: {  	v3 =	vadd.s32 v1, v3;
	_ =	sdelay $0x2  }
0x72: {  	[tilespmem:s9], [sflag:$0x1] =	stream.indirect_vreg.gather [hbm4b:s3+s2], $0x80, v4, vm0, $0xb8;
	[tilespmem:$0x8100] =	vst v63  }
0x73: {  	_ = 	snop  }
0x74: {  	[tilespmem:s10], [sflag:$0x1] =	stream.indirect_vreg.gather [hbm4b:s3+s2], $0x80, v3, vm0, $0xb8;
	[tilespmem:$0x8100] =	vst v63  }
0x75: {  	v3 =	vld [tilespmem:$0x90];
	_ =	sdelay $0x4  }
0x76: {  	v57 =	vshll.u32 v3, $0x1  }
0x77: {  	v3 =	vand.u32 $0x7, v3;
	v4 =	vand.u32 $0xFFFFFFF0, v57  }
0x78: {  	v3 =	vor.u32 v3, v4  }
0x79: {  	v4 =	vperm.xlane v3, v0;
	_ =	sdelay $0x1  }
0x7a: {  	v3 =	vperm.xlane v3, v2;
	v4 =	vadd.s32 v1, v4;
	_ =	sdelay $0x1  }
0x7b: {  	v3 =	vadd.s32 v1, v3;
	_ =	sdelay $0x2  }
0x7c: {  	[tilespmem:s11], [sflag:$0x1] =	stream.indirect_vreg.gather [hbm4b:s3+s2], $0x80, v4, vm0, $0xb8;
	[tilespmem:$0x8100] =	vst v63  }
0x7d: {  	_ = 	snop  }
0x7e: {  	[tilespmem:s12], [sflag:$0x1] =	stream.indirect_vreg.gather [hbm4b:s3+s2], $0x80, v3, vm0, $0xb8;
	[tilespmem:$0x8100] =	vst v63  }
0x7f: {  	v3 =	vld [tilespmem:$0xA0];
	_ =	sdelay $0x4  }
0x80: {  	v58 =	vshll.u32 v3, $0x1  }
0x81: {  	v3 =	vand.u32 $0x7, v3;
	v4 =	vand.u32 $0xFFFFFFF0, v58  }
0x82: {  	v3 =	vor.u32 v3, v4  }
0x83: {  	v4 =	vperm.xlane v3, v0;
	_ =	sdelay $0x1  }
0x84: {  	v3 =	vperm.xlane v3, v2;
	v4 =	vadd.s32 v1, v4;
	_ =	sdelay $0x1  }
0x85: {  	v3 =	vadd.s32 v1, v3;
	_ =	sdelay $0x2  }
0x86: {  	[tilespmem:s13], [sflag:$0x1] =	stream.indirect_vreg.gather [hbm4b:s3+s2], $0x80, v4, vm0, $0xb8;
	[tilespmem:$0x8100] =	vst v63  }
0x87: {  	_ = 	snop  }
0x88: {  	[tilespmem:s14], [sflag:$0x1] =	stream.indirect_vreg.gather [hbm4b:s3+s2], $0x80, v3, vm0, $0xb8;
	[tilespmem:$0x8100] =	vst v63  }
0x89: {  	v3 =	vld [tilespmem:$0xB0];
	_ =	sdelay $0x4  }
0x8a: {  	v59 =	vshll.u32 v3, $0x1  }
0x8b: {  	v3 =	vand.u32 $0x7, v3;
	v4 =	vand.u32 $0xFFFFFFF0, v59  }
0x8c: {  	v3 =	vor.u32 v3, v4  }
0x8d: {  	v4 =	vperm.xlane v3, v0;
	_ =	sdelay $0x1  }
0x8e: {  	v3 =	vperm.xlane v3, v2;
	v4 =	vadd.s32 v1, v4;
	_ =	sdelay $0x1  }
0x8f: {  	v3 =	vadd.s32 v1, v3;
	_ =	sdelay $0x2  }
0x90: {  	[tilespmem:s15], [sflag:$0x1] =	stream.indirect_vreg.gather [hbm4b:s3+s2], $0x80, v4, vm0, $0xb8;
	[tilespmem:$0x8100] =	vst v63  }
0x91: {  	_ = 	snop  }
0x92: {  	[tilespmem:s16], [sflag:$0x1] =	stream.indirect_vreg.gather [hbm4b:s3+s2], $0x80, v3, vm0, $0xb8;
	[tilespmem:$0x8100] =	vst v63  }
0x93: {  	v3 =	vld [tilespmem:$0xC0];
	_ =	sdelay $0x4  }
0x94: {  	v60 =	vshll.u32 v3, $0x1  }
0x95: {  	v3 =	vand.u32 $0x7, v3;
	v4 =	vand.u32 $0xFFFFFFF0, v60  }
0x96: {  	v3 =	vor.u32 v3, v4  }
0x97: {  	v4 =	vperm.xlane v3, v0;
	_ =	sdelay $0x1  }
0x98: {  	v3 =	vperm.xlane v3, v2;
	v4 =	vadd.s32 v1, v4;
	_ =	sdelay $0x1  }
0x99: {  	v3 =	vadd.s32 v1, v3;
	_ =	sdelay $0x2  }
0x9a: {  	[tilespmem:s17], [sflag:$0x1] =	stream.indirect_vreg.gather [hbm4b:s3+s2], $0x80, v4, vm0, $0xb8;
	[tilespmem:$0x8100] =	vst v63  }
0x9b: {  	_ = 	snop  }
0x9c: {  	[tilespmem:s18], [sflag:$0x1] =	stream.indirect_vreg.gather [hbm4b:s3+s2], $0x80, v3, vm0, $0xb8;
	[tilespmem:$0x8100] =	vst v63  }
0x9d: {  	v3 =	vld [tilespmem:$0xD0];
	_ =	sdelay $0x4  }
0x9e: {  	v61 =	vshll.u32 v3, $0x1  }
0x9f: {  	v3 =	vand.u32 $0x7, v3;
	v4 =	vand.u32 $0xFFFFFFF0, v61  }
0xa0: {  	v3 =	vor.u32 v3, v4  }
0xa1: {  	v4 =	vperm.xlane v3, v0;
	_ =	sdelay $0x1  }
0xa2: {  	v3 =	vperm.xlane v3, v2;
	v4 =	vadd.s32 v1, v4;
	_ =	sdelay $0x1  }
0xa3: {  	v3 =	vadd.s32 v1, v3;
	_ =	sdelay $0x2  }
0xa4: {  	[tilespmem:s19], [sflag:$0x1] =	stream.indirect_vreg.gather [hbm4b:s3+s2], $0x80, v4, vm0, $0xb8;
	[tilespmem:$0x8100] =	vst v63  }
0xa5: {  	_ = 	snop  }
0xa6: {  	[tilespmem:s20], [sflag:$0x1] =	stream.indirect_vreg.gather [hbm4b:s3+s2], $0x80, v3, vm0, $0xb8;
	[tilespmem:$0x8100] =	vst v63  }
0xa7: {  	v3 =	vld [tilespmem:$0xE0];
	_ =	sdelay $0x4  }
0xa8: {  	v62 =	vshll.u32 v3, $0x1  }
0xa9: {  	v3 =	vand.u32 $0x7, v3;
	v4 =	vand.u32 $0xFFFFFFF0, v62  }
0xaa: {  	v3 =	vor.u32 v3, v4  }
0xab: {  	v4 =	vperm.xlane v3, v0;
	_ =	sdelay $0x1  }
0xac: {  	v3 =	vperm.xlane v3, v2;
	v4 =	vadd.s32 v1, v4;
	_ =	sdelay $0x1  }
0xad: {  	v3 =	vadd.s32 v1, v3;
	_ =	sdelay $0x2  }
0xae: {  	[tilespmem:s21], [sflag:$0x1] =	stream.indirect_vreg.gather [hbm4b:s3+s2], $0x80, v4, vm0, $0xb8;
	[tilespmem:$0x8100] =	vst v63  }
0xaf: {  	_ = 	snop  }
0xb0: {  	[tilespmem:s22], [sflag:$0x1] =	stream.indirect_vreg.gather [hbm4b:s3+s2], $0x80, v3, vm0, $0xb8;
	[tilespmem:$0x8100] =	vst v63  }
0xb1: {  	v3 =	vld [tilespmem:$0xF0];
	_ =	sdelay $0x4  }
0xb2: {  	v63 =	vshll.u32 v3, $0x1  }
0xb3: {  	v3 =	vand.u32 $0x7, v3;
	v4 =	vand.u32 $0xFFFFFFF0, v63  }
0xb4: {  	v3 =	vor.u32 v3, v4  }
0xb5: {  	v4 =	vperm.xlane v3, v0;
	_ =	sdelay $0x1  }
0xb6: {  	v3 =	vperm.xlane v3, v2;
	v4 =	vadd.s32 v1, v4;
	_ =	sdelay $0x1  }
0xb7: {  	v3 =	vadd.s32 v1, v3;
	_ =	sdelay $0x2  }
0xb8: {  	[tilespmem:s23], [sflag:$0x1] =	stream.indirect_vreg.gather [hbm4b:s3+s2], $0x80, v4, vm0, $0xb8;
	[tilespmem:$0x8100] =	vst v63  }
0xb9: {  	_ = 	snop  }
0xba: {  	[tilespmem:s24], [sflag:$0x1] =	stream.indirect_vreg.gather [hbm4b:s3+s2], $0x80, v3, vm0, $0xb8;
	[tilespmem:$0x8100] =	vst v63  }
0xbb: {  	_ =	swait.ge [sflag:s25], $0x8000  }
0xbc: {  	p0 =	sne.s32 s7, $0x1;
	[sflag:s25] =	ssyncset.done $0x0  }
.Ltmp0:
0xbd: {  	[sflag:s25] =	ssyncadd.s32 $0xFFFF8000;
	(pc) =	sbr.rel @p0 .LBB2_1-.Ltmp0, $4  }
0xbe: {  	[hbm4b:s6+s2] =	stream.linear.scatter [tilespmem:s9], [sflag:$0x2], $0x8000, $0x38;
	[tilespmem:$0x8100] =	vst v63  }
0xbf: {  	_ =	swait.ge [sflag:s8], $0x8000  }
0xc0: {  	[sflag:s8] =	ssyncset.done $0x0  }
0xc1: {  	s7 =	sadd.s32 $0xFFFFFFFF, s7;
	[sflag:s8] =	ssyncadd.s32 $0xFFFF8000  }
0xc2: {  	_ =	sfence.sel $0x180000  }
0xc3: {  	[bflag:$0x0] =	sbarrier.arrive $0xFFFF  }
0xc4: {  	p0 =	sne.s32 s1, $0x0;
	_ =	strace $0x9000004A  }
0xc5: {  	s0 =	sadd.s32 @!p0 $0x100000, s0;
	[bflag:$0x2] =	sbarrier.arrive $0xFFFF  }
0xc6: {  	[sflag:s0] =	ssyncadd.tile.s32 @!p0 $0x1;
	_ =	shalt  }
.Lfunc_end2:
_tile_overlayer_lowered:
.L_overlay_start_2:
0xc7: {  	(tag) =	ssettag $0x2  }
0xc8: {  	s0 =	rddreg [dreg:$0x0];
	s2 =	stileid.u32  }
0xc9: {  	s1 =	rddreg [dreg:$0x1];
	p0 =	sne.s32 s2, $0x0  }
0xca: {  	s3 =	rddreg [dreg:$0x2];
	[bflag:$0x3] =	sbarrier.arrive $0xFFFF;
	s2 =	simm.s32 @!p0 $0x1C02  }
0xcb: {  	[timem:s3], [sflag:s2] =	dma.local @!p0 [hbm:s0], s1  }
0xcc: {  	s0 =	simm.s32 @!p0 $0x2  }
0xcd: {  	_ =	swait.ge @!p0 [sflag:s0], s1  }
0xce: {  	s1 =	ssub.s32 @!p0 $0x0, s1;
	[sflag:s0] =	ssyncset.done @!p0 $0x0  }
0xcf: {  	[sflag:s0] =	ssyncadd.s32 @!p0 s1  }
0xd0: {  	[bflag:$0x3] =	sbarrier.arrive $0xFFFF  }
0xd1: {  	_ =	shalt  }

// kernel: kernel.13.cloned.1.call-start
scs
__scs_entry_jumppad:
0x0: {  	(pc) =	sbr.rel $0x88, $3  }
0x1: {  	(tag) =	ssettag $0x0;
	lr =	simm.s32 $0x1  }
0x2: {  	[smem:$0x3F93] =	sst lr;
	_ =	strace $0xD0000000  }
0x3: {  	_ = 	snop  }
0x4: {  	_ = 	snop  }
0x5: {  	_ = 	snop  }
0x6: {  	_ = 	snop  }
0x7: {  	_ = 	snop  }
__scs_overlays_trampoline_lowered:
0x8: {  	[smem:$0x3FA2] =	sst s0  }
0x9: {  	[smem:$0x3FA3] =	sst s1  }
0xa: {  	[smem:$0x3FA4] =	sst s2  }
0xb: {  	[smem:$0x3FA5] =	sst s3  }
0xc: {  	[smem:$0x3FA6] =	sst s4  }
0xd: {  	[smem:$0x3FA7] =	sst s5  }
0xe: {  	[smem:$0x3FA8] =	sst s6  }
0xf: {  	[smem:$0x3FA9] =	sst s7  }
0x10: {  	[smem:$0x3FAA] =	sst s8  }
0x11: {  	[smem:$0x3FAB] =	sst s9;
	s0 =	simm.s32 @!p0 $0x0  }
0x12: {  	s1 =	sld [smem:$0x3F91];
	s0 =	simm.s32 @p0 $0x1  }
0x13: {  	[smem:$0x3FAC] =	sst s0;
	s0 =	simm.s32 @!p1 $0x0  }
0x14: {  	s2 =	sld [smem:$0x3F90];
	s0 =	simm.s32 @p1 $0x1  }
0x15: {  	[smem:$0x3FAD] =	sst s0;
	s0 =	simm.s32 @!p2 $0x0  }
0x16: {  	s3 =	sld [smem:$0x3FDB];
	s0 =	simm.s32 @p2 $0x1  }
0x17: {  	s4 =	simm.s32 $0x1BF5;
	[smem:$0x3FAF] =	sst s0  }
0x18: {  	s0 =	sld [smem:$0x3F92];
	_ =	swait.ge [sflag:s4], $0x0  }
0x19: {  	s7 =	sld [smem:$0x3F93]  }
0x1a: {  	s8 =	sadd.s32 $0xFFFFE003, lr  }
0x1b: {  	s9 =	sadd.s32 $0xFFFFFEF7, lr;
	s5 =	simm.s32 $0xFFFFFFFF;
	p2 =	slt.u32 s8, $0xFFFFF086  }
0x1c: {  	p1 =	slt.u32 s9, $0xF7A;
	s5 =	simm.s32 @!p2 $0x0  }
0x1d: {  	s5 =	simm.s32 @p1 $0x1;
	p0 =	seq.s32 s7, s2  }
0x1e: {  	s7 =	smul.u32 @!p0 $0xF7A, s2;
	p2 =	seq.s32 @!p0 s5, $0x0  }
0x1f: {  	s9 =	smul.u32 $0xF7A, s1;
	s8 =	simm.s32 @!p0 $0x1BF5;
	p2 =	por !p2, p0  }
0x20: {  	[sflag:s8] =	ssyncset.s32 @!p0 $0xFFFFF086;
	s6 =	sadd.s32 @!p0 s3, s7;
	s7 =	simm.s32 @!p0 $0x108  }
0x21: {  	s3 =	sadd.s32 s3, s9;
	s6 =	sadd.s32 @!p0 $0x88, s6;
	s7 =	simm.s32 @p2 $0x1082  }
0x22: {  	[simem:s7], [sflag:s8] =	dma.local @!p0 [hbm:s6], $0xF7A  }
0x23: {  	s9 =	sor.u32 $0xD0000000, s2;
	s6 =	simm.s32 $0x108;
	_ =	swait.ge @!p0 [sflag:s8], $0x0  }
0x24: {  	s3 =	sadd.s32 $0x88, s3;
	s6 =	simm.s32 @!p1 $0x1082;
	[sflag:s4] =	ssyncset.s32 $0xFFFFF086  }
0x25: {  	[simem:s6], [sflag:s4] =	dma.local [hbm:s3], $0xF7A  }
0x26: {  	[smem:$0x3F93] =	sst s1;
	(tag) =	ssettag s2;
	_ =	strace s9  }
0x27: {  	s1 =	sld [smem:$0x3FA3]  }
0x28: {  	s2 =	sld [smem:$0x3FA4]  }
0x29: {  	s4 =	sld [smem:$0x3FA6]  }
0x2a: {  	p0 =	seq.s32 s5, $0x0;
	s5 =	sld [smem:$0x3FA7]  }
0x2b: {  	s6 =	sld [smem:$0x3FA8]  }
0x2c: {  	s7 =	sld [smem:$0x3FA9]  }
0x2d: {  	s3 =	simm.s32 $0x108;
	s8 =	sld [smem:$0x3FAA]  }
0x2e: {  	s3 =	simm.s32 @!p0 $0x1082;
	s9 =	sld [smem:$0x3FAB]  }
0x2f: {  	lr =	sadd.s32 s0, s3;
	s0 =	sld [smem:$0x3FA2]  }
0x30: {  	s3 =	sld [smem:$0x3FA5]  }
0x31: {  	[smem:$0x3FAE] =	sst s10  }
0x32: {  	s10 =	sld [smem:$0x3FAC];
	_ =	sdelay $0x3  }
0x33: {  	p0 =	seq.s32 s10, $0x1;
	s10 =	sld [smem:$0x3FAE];
	_ =	sdelay $0x3  }
0x34: {  	[smem:$0x3FAE] =	sst s10  }
0x35: {  	s10 =	sld [smem:$0x3FAD];
	_ =	sdelay $0x3  }
0x36: {  	p1 =	seq.s32 s10, $0x1;
	s10 =	sld [smem:$0x3FAE];
	_ =	sdelay $0x3  }
0x37: {  	[smem:$0x3FAE] =	sst s10  }
0x38: {  	s10 =	sld [smem:$0x3FAF]  }
0x39: {  	_ = 	snop;
	(pc) =	sbr.ind lr, $3  }
0x3a: {  	_ = 	snop  }
0x3b: {  	_ = 	snop  }
0x3c: {  	p2 =	seq.s32 s10, $0x1;
	s10 =	sld [smem:$0x3FAE]  }
0x3d: {  	_ =	shalt  }
0x3e: {  	_ =	shalt  }
0x3f: {  	_ =	shalt  }
0x40: {  	_ =	shalt  }
0x41: {  	_ =	shalt  }
0x42: {  	_ =	shalt  }
0x43: {  	_ =	shalt  }
0x44: {  	_ =	shalt  }
0x45: {  	_ =	shalt  }
0x46: {  	_ =	shalt  }
0x47: {  	_ =	shalt  }
0x48: {  	_ =	shalt  }
0x49: {  	_ =	shalt  }
0x4a: {  	_ =	shalt  }
0x4b: {  	_ =	shalt  }
0x4c: {  	_ =	shalt  }
0x4d: {  	_ =	shalt  }
0x4e: {  	_ =	shalt  }
0x4f: {  	_ =	shalt  }
0x50: {  	_ =	shalt  }
0x51: {  	_ =	shalt  }
0x52: {  	_ =	shalt  }
0x53: {  	_ =	shalt  }
0x54: {  	_ =	shalt  }
0x55: {  	_ =	shalt  }
0x56: {  	_ =	shalt  }
0x57: {  	_ =	shalt  }
0x58: {  	_ =	shalt  }
0x59: {  	_ =	shalt  }
0x5a: {  	_ =	shalt  }
0x5b: {  	_ =	shalt  }
0x5c: {  	_ =	shalt  }
0x5d: {  	_ =	shalt  }
0x5e: {  	_ =	shalt  }
0x5f: {  	_ =	shalt  }
0x60: {  	_ =	shalt  }
0x61: {  	_ =	shalt  }
0x62: {  	_ =	shalt  }
0x63: {  	_ =	shalt  }
0x64: {  	_ =	shalt  }
0x65: {  	_ =	shalt  }
0x66: {  	_ =	shalt  }
0x67: {  	_ =	shalt  }
0x68: {  	_ =	shalt  }
0x69: {  	_ =	shalt  }
0x6a: {  	_ =	shalt  }
0x6b: {  	_ =	shalt  }
0x6c: {  	_ =	shalt  }
0x6d: {  	_ =	shalt  }
0x6e: {  	_ =	shalt  }
0x6f: {  	_ =	shalt  }
0x70: {  	_ =	shalt  }
0x71: {  	_ =	shalt  }
0x72: {  	_ =	shalt  }
0x73: {  	_ =	shalt  }
0x74: {  	_ =	shalt  }
0x75: {  	_ =	shalt  }
0x76: {  	_ =	shalt  }
0x77: {  	_ =	shalt  }
0x78: {  	_ =	shalt  }
0x79: {  	_ =	shalt  }
0x7a: {  	_ =	shalt  }
0x7b: {  	_ =	shalt  }
0x7c: {  	_ =	shalt  }
0x7d: {  	_ =	shalt  }
0x7e: {  	_ =	shalt  }
0x7f: {  	_ =	shalt  }
0x80: {  	_ =	shalt  }
0x81: {  	_ =	shalt  }
0x82: {  	_ =	shalt  }
0x83: {  	_ =	shalt  }
0x84: {  	_ =	shalt  }
0x85: {  	_ =	shalt  }
0x86: {  	_ =	shalt  }
0x87: {  	_ =	shalt  }
.Lfunc_end0:
.L_simem_size_0:
called_computation.1_lowered:
.L_overlay_start_0:
0x88: {  	s2 =	sld [smem:$0x3FD9]  }
0x89: {  	s3 =	sld [smem:$0x3FFE];
	_ =	sdelay $0x1  }
0x8a: {  	s1 =	srdreg.scid  }
0x8b: {  	s0 =	sand.u32 $0x1, s1  }
0x8c: {  	s17 =	sshll.u32 s0, $0xA;
	s2 =	sadd.s32 s3, s2  }
0x8d: {  	s2 =	sadd.s32 s2, s17  }
0x8e: {  	[smem:$0x3FBA] =	sst s2  }
0x8f: {  	_ = 	snop  }
0x90: {  	s2 =	sld [smem:$0x3FD0];
	(tm) =	ssettm $0x1  }
0x91: {  	s18 =	sld [smem:$0x3FFB];
	_ =	sdelay $0x3  }
0x92: {  	_ =	strace s18  }
0x93: {  	s3 =	sld [smem:$0x3FFC];
	_ =	sdelay $0x3  }
0x94: {  	_ =	strace s3  }
0x95: {  	s3 =	sld [smem:$0x3FFD];
	_ =	sdelay $0x3  }
0x96: {  	_ =	strace s3  }
0x97: {  	_ =	strace $0x8FFFFFFF  }
0x98: {  	s19 =	sld [smem:$0x3FDB];
	_ =	sdelay $0x1  }
0x99: {  	s4 =	simm.s32 $_scs_section_size  }
0x9a: {  	s5 =	simm.s32 $_size__tile_overlayer_lowered;
	s6 =	simm.s32 $_tile_overlayer_lowered  }
0x9b: {  	s22 =	simm.s32 $0x1BFF;
	s21 =	sshll.u32 s6, $0x1;
	s3 =	sadd.s32 s4, s19  }
0x9c: {  	s7 =	simm.s32 $0x0;
	s20 =	sshll.u32 s5, $0x1;
	s5 =	sadd.s32 s21, s3  }
0x9d: {  	[timem:s7], [sflag:s22] =	dma.local [hbm:s5], s20  }
0x9e: {  	_ =	swait.ge [sflag:s22], s20  }
0x9f: {  	s4 =	ssub.s32 $0x0, s20;
	[sflag:s22] =	ssyncset.done $0x0  }
0xa0: {  	[sflag:s22] =	ssyncadd.s32 s4;
	_ =	sdelay $0x1  }
0xa1: {  	s23 =	simm.s32 $0x1B8B  }
0xa2: {  	_ =	swait.ge [sflag:s23], $0x1  }
0xa3: {  	[sflag:s23] =	ssyncset.done $0x0  }
0xa4: {  	s25 =	simm.s32 $0x1B8E;
	s24 =	sld [smem:$0x3FFE];
	[sflag:s23] =	ssyncadd.s32 $0xFFFFFFFF  }
0xa5: {  	s26 =	simm.s32 $execute0_lowered;
	[smem:$0x3FD2] =	sst s25  }
0xa6: {  	s5 =	sshll.u32 s26, $0x1;
	_ =	strace $0x80000046;
	[dreg:$0x1] =	wrdreg $0xFFFFFFFF  }
0xa7: {  	s28 =	simm.s32 $_size_execute0_lowered;
	s3 =	sadd.s32 s3, s5;
	[dreg:$0x0] =	wrdreg $0x0  }
0xa8: {  	s5 =	sshll.u32 s28, $0x1;
	[dreg:$0x2] =	wrdreg s3  }
0xa9: {  	[dreg:$0x3] =	wrdreg s5  }
0xaa: {  	[dreg:$0x4] =	wrdreg $0xC0  }
0xab: {  	_ =	task [dreg:s7], $0x5FFFF  }
0xac: {  	[dreg:$0x1] =	wrdreg $0xFFFFFFFF  }
0xad: {  	[dreg:$0x0] =	wrdreg $0x60  }
0xae: {  	[dreg:$0x2] =	wrdreg s24  }
0xaf: {  	[dreg:$0x3] =	wrdreg s2  }
0xb0: {  	[dreg:$0x4] =	wrdreg $0xA0000  }
0xb1: {  	[dreg:$0x5] =	wrdreg $0xA  }
0xb2: {  	_ =	task.clear_ibuf [dreg:s7], $0x6FFFF;
	_ =	strace $0x90000046  }
0xb3: {  	s29 =	simm.s32 $0xA;
	_ =	strace $0x80000048  }
0xb4: {  	_ =	swait.ge [sflag:s29], $0x1  }
0xb5: {  	[sflag:s29] =	ssyncadd.s32 $0xFFFFFFFF  }
0xb6: {  	_ =	strace $0x90000048  }
0xb7: {  	_ =	sfence  }
0xb8: {  	s30 =	sld [smem:$0x0];
	_ =	sdelay $0x2  }
0xb9: {  	s31 =	sshll.u32 s1, $0xD;
	s1 =	sshrl.u32 s1, $0x2  }
0xba: {  	s3 =	sand.u32 $0x4000, s31;
	s1 =	sadd.s32 s1, s30  }
0xbb: {  	s0 =	sor.u32 s3, s0;
	s1 =	sshll.u32 s1, $0x11  }
0xbc: {  	s0 =	sor.u32 s1, s0  }
0xbd: {  	s0 =	sadd.s32 $0x8F2B, s0  }
0xbe: {  	[sflag:s0] =	ssyncadd.remote.s32 $0x1  }
0xbf: {  	_ =	sfence.sel $0xFFFF  }
0xc0: {  	[dreg:$0x0] =	wrdreg $0xFFFFFFFF;
	(pc) =	sbr.abs _section_cstart, $3  }
0xc1: {  	[dreg:$0x1] =	wrdreg $0xFFFFFFFF  }
0xc2: {  	_ =	task.clear_ibuf [dreg:s7], $0x2FFFF;
	_ =	strace $0x9FFFFFFF  }
0xc3: {  	(tm) =	ssettm $0x7FFFFFFF  }
tec
execute0_lowered:
.L_overlay_start_1:
0x0: {  	(tag) =	ssettag $0x1  }
0x1: {  	s5 =	rddreg [dreg:$0x0]  }
0x2: {  	s0 =	srdreg.scid;
	s9 =	rddreg [dreg:$0x1]  }
0x3: {  	s2 =	rddreg [dreg:$0x2];
	s3 =	simm.s32 $0x0;
	s15 =	simm.s32 $0x6000  }
0x4: {  	s16 =	simm.s32 $0x1;
	s8 =	sand.u32 $0x1, s0;
	s0 =	stileid.u32  }
0x5: {  	s17 =	simm.s32 $0x0;
	[smem:$0x7FF] =	sst s3;
	s7 =	smul.u32 $0x140000, s8  }
0x6: {  	s1 =	sxor.u32 $0x1, s8;
	s12 =	sshll.u32 s0, $0x6;
	s11 =	smul.u32 $0x14000, s0  }
0x7: {  	s30 =	ssub.s32 $0x2, s8;
	s14 =	smul.u32 $0x50000, s0;
	p0 =	seq.s32 s8, $0x1  }
0x8: {  	s1 =	smul.u32 s1, s0;
	s6 =	sadd.s32 $0x600, s12;
	s13 =	sshrl.u32 s30, $0x1  }
0x9: {  	s12 =	sor.u32 $0x1C02, s12;
	s6 =	smul.u32 s8, s6;
	s13 =	ssub.s32 s30, s13  }
0xa: {  	s11 =	sadd.s32 s11, s7;
	s31 =	sshrl.u32 s14, $0x2;
	s4 =	smul.u32 $0x60, s1  }
0xb: {  	s1 =	rddreg [dreg:$0x3];
	_ =	strace $0x80000047;
	s11 =	sshrl.u32 s11, $0x3  }
.Ltmp0:
0xc: {  	s14 =	sadd.s32 s31, s2;
	s8 =	sadd.s32 s9, s11;
	(pc) =	sbr.rel .LBB2_1-.Ltmp0, $4  }
0xd: {  	s9 =	smax.u32 s13, $0x1;
	s11 =	simm.s32 $0x3000;
	s6 =	sadd.s32 s4, s6  }
0xe: {  	s13 =	sshrl.u32 s14, $0x3;
	s14 =	simm.s32 $0x80;
	s6 =	sshll.u32 s6, $0x4  }
0xf: {  	s4 =	sadd.s32 $0x16C00, s5;
	s10 =	sadd.s32 s6, s5;
	s5 =	sadd.s32 $0x3DE00, s5  }
0x10: {  	s6 =	sadd.s32 $0xCA00, s10;
	s7 =	sadd.s32 $0x2800, s10;
	s10 =	simm.s32 $0x2  }
.LBB2_7:
0x11: {  	s18 =	sshra.s32 s18, $0x2;
	[sflag:s10] =	ssyncadd.s32 $0xFFFFC000  }
0x12: {  	[tilespmem:s15], [sflag:$0x1] =	stream.indirect.gather [hbm4b:s4+s14], $0x80, s18, s14, $0xb8;
	[tilespmem:$0x1E000] =	vst v63  }
0x13: {  	_ =	swait.ge [sflag:s16], $0x4000  }
0x14: {  	[sflag:s16] =	ssyncset.done $0x0  }
0x15: {  	s18 =	sadd.s32 $0x3000, s18;
	[sflag:s16] =	ssyncadd.s32 $0xFFFFC000  }
0x16: {  	[spmem:s2] =	stream.indirect.scatter.add.f32 [tilespmem:s15], [sflag:$0x2], $0x80, s18, s14, $0xb8;
	[tilespmem:$0x1E000] =	vst v63  }
0x17: {  	_ =	swait.ge [sflag:s10], $0x4000  }
0x18: {  	[sflag:s10] =	ssyncset.done $0x0  }
0x19: {  	[sflag:s10] =	ssyncadd.s32 $0xFFFFC000  }
.LBB2_8:
0x1a: {  	s17 =	sadd.s32 $0x1, s17  }
0x1b: {  	p1 =	sne.s32 s17, s9  }
.Ltmp1:
0x1c: {  	[bflag:$0x0] =	sbarrier.arrive $0xFFFF;
	(pc) =	sbr.rel @!p1 .LBB2_9-.Ltmp1, $4  }
0x1d: {  	[hbm:s8], [sflag:s12] =	dma.local [spmem:s13], $0x2800  }
0x1e: {  	_ =	swait.ge [sflag:s10], $0x2800  }
0x1f: {  	[sflag:s10] =	ssyncset.done $0x0  }
0x20: {  	[sflag:s10] =	ssyncadd.s32 $0xFFFFD800  }
.LBB2_1:
0x21: {  	[tilespmem:s3], [sflag:$0x2] =	stream.linear.gather [hbm4b:s6+s3], $0x3000, $0x38;
	[tilespmem:$0x1E000] =	vst v63  }
0x22: {  	_ =	swait.ge [sflag:s10], $0x3000  }
0x23: {  	[sflag:s10] =	ssyncset.done $0x0  }
0x24: {  	[sflag:s10] =	ssyncadd.s32 $0xFFFFD000  }
0x25: {  	[tilespmem:s11], [sflag:$0x2] =	stream.linear.gather [hbm4b:s7+s3], $0x3000, $0x38;
	[tilespmem:$0x1E000] =	vst v63  }
0x26: {  	_ =	swait.ge [sflag:s10], $0x3000  }
0x27: {  	[sflag:s10] =	ssyncset.done $0x0  }
0x28: {  	[sflag:s10] =	ssyncadd.s32 $0xFFFFD000  }
0x29: {  	[spmem:s13], [sflag:s12] =	dma.local [hbm:s5], $0x2800  }
.Ltmp2:
0x2a: {  	_ =	swait.ge [sflag:s10], $0x2800;
	(pc) =	sbr.rel @!p0 .LBB2_2-.Ltmp2, $4  }
0x2b: {  	[sflag:s10] =	ssyncset.done $0x0  }
0x2c: {  	[sflag:s10] =	ssyncadd.s32 $0xFFFFD800  }
0x2d: {  	[bflag:$0x0] =	sbarrier.arrive $0xFFFF  }
0x2e: {  	s18 =	simm.s32 $0x0  }
0x2f: {  	[tilespmem:s15], [sflag:$0x1] =	stream.indirect.gather [hbm4b:s4+s14], $0x80, s18, s14, $0xb8;
	[tilespmem:$0x1E000] =	vst v63  }
0x30: {  	_ =	swait.ge [sflag:s16], $0x4000  }
0x31: {  	[sflag:s16] =	ssyncset.done $0x0  }
0x32: {  	s31 =	simm.s32 $0x3000;
	[sflag:s16] =	ssyncadd.s32 $0xFFFFC000  }
0x33: {  	[spmem:s2] =	stream.indirect.scatter.add.f32 [tilespmem:s15], [sflag:$0x2], $0x80, s31, s14, $0xb8;
	[tilespmem:$0x1E000] =	vst v63  }
0x34: {  	_ =	swait.ge [sflag:s10], $0x4000  }
0x35: {  	s18 =	simm.s32 $0x200;
	s19 =	simm.s32 $0x400;
	[sflag:s10] =	ssyncset.done $0x0  }
.LBB2_6:
0x36: {  	s20 =	sshra.s32 s18, $0x2  }
0x37: {  	[sflag:s10] =	ssyncadd.s32 $0xFFFFC000;
	s18 =	smov.u32 s19;
	s21 =	sadd.s32 $0x200, s19  }
0x38: {  	[tilespmem:s15], [sflag:$0x1] =	stream.indirect.gather [hbm4b:s4+s14], $0x80, s20, s14, $0xb8;
	[tilespmem:$0x1E000] =	vst v63  }
0x39: {  	p1 =	sne.s32 s19, $0x7E00;
	_ =	swait.ge [sflag:s16], $0x4000  }
.Ltmp3:
0x3a: {  	[sflag:s16] =	ssyncset.done $0x0;
	(pc) =	sbr.rel @p1 .LBB2_6-.Ltmp3, $4  }
0x3b: {  	s19 =	sadd.s32 $0x3000, s20;
	[sflag:s16] =	ssyncadd.s32 $0xFFFFC000  }
0x3c: {  	[spmem:s2] =	stream.indirect.scatter.add.f32 [tilespmem:s15], [sflag:$0x2], $0x80, s19, s14, $0xb8;
	[tilespmem:$0x1E000] =	vst v63  }
0x3d: {  	_ =	swait.ge [sflag:s10], $0x4000  }
0x3e: {  	s19 =	smov.u32 s21;
	[sflag:s10] =	ssyncset.done $0x0  }
.Ltmp4:
0x3f: {  	_ = 	snop;
	(pc) =	sbr.rel .LBB2_7-.Ltmp4, $1  }
0x40: {  	_ =	sdelay $0x3  }
.LBB2_2:
0x41: {  	[tilespmem:s15], [sflag:$0x1] =	stream.indirect.gather [hbm4b:s4+s14], $0x80, s18, s14, $0xb8;
	[tilespmem:$0x1E000] =	vst v63  }
0x42: {  	_ =	swait.ge [sflag:s16], $0x4000  }
0x43: {  	[sflag:s16] =	ssyncset.done $0x0  }
0x44: {  	s31 =	simm.s32 $0x3000;
	[sflag:s16] =	ssyncadd.s32 $0xFFFFC000  }
0x45: {  	[spmem:s2] =	stream.indirect.scatter.add.f32 [tilespmem:s15], [sflag:$0x2], $0x80, s31, s14, $0xb8;
	[tilespmem:$0x1E000] =	vst v63  }
0x46: {  	_ =	swait.ge [sflag:s10], $0x4000  }
0x47: {  	s18 =	simm.s32 $0x200;
	s19 =	simm.s32 $0x400;
	[sflag:s10] =	ssyncset.done $0x0  }
.LBB2_3:
0x48: {  	s20 =	sshra.s32 s18, $0x2  }
0x49: {  	[sflag:s10] =	ssyncadd.s32 $0xFFFFC000;
	s18 =	smov.u32 s19;
	s21 =	sadd.s32 $0x200, s19  }
0x4a: {  	[tilespmem:s15], [sflag:$0x1] =	stream.indirect.gather [hbm4b:s4+s14], $0x80, s20, s14, $0xb8;
	[tilespmem:$0x1E000] =	vst v63  }
0x4b: {  	p1 =	seq.s32 s19, $0xBE00;
	_ =	swait.ge [sflag:s16], $0x4000  }
.Ltmp5:
0x4c: {  	[sflag:s16] =	ssyncset.done $0x0;
	(pc) =	sbr.rel @!p1 .LBB2_3-.Ltmp5, $4  }
0x4d: {  	s19 =	sadd.s32 $0x3000, s20;
	[sflag:s16] =	ssyncadd.s32 $0xFFFFC000  }
0x4e: {  	[spmem:s2] =	stream.indirect.scatter.add.f32 [tilespmem:s15], [sflag:$0x2], $0x80, s19, s14, $0xb8;
	[tilespmem:$0x1E000] =	vst v63  }
0x4f: {  	_ =	swait.ge [sflag:s10], $0x4000  }
0x50: {  	s19 =	smov.u32 s21;
	[sflag:s10] =	ssyncset.done $0x0  }
0x51: {  	s18 =	sshra.s32 s18, $0x2;
	[sflag:s10] =	ssyncadd.s32 $0xFFFFC000  }
0x52: {  	[tilespmem:s15], [sflag:$0x1] =	stream.indirect.gather [hbm4b:s4+s14], $0x80, s18, s14, $0xb8;
	[tilespmem:$0x1E000] =	vst v63  }
0x53: {  	_ =	swait.ge [sflag:s16], $0x4000  }
0x54: {  	[sflag:s16] =	ssyncset.done $0x0  }
.Ltmp6:
0x55: {  	s18 =	sadd.s32 $0x3000, s18;
	[sflag:s16] =	ssyncadd.s32 $0xFFFFC000;
	(pc) =	sbr.rel .LBB2_8-.Ltmp6, $4  }
0x56: {  	[spmem:s2] =	stream.indirect.scatter.add.f32 [tilespmem:s15], [sflag:$0x2], $0x80, s18, s14, $0xb8;
	[tilespmem:$0x1E000] =	vst v63  }
0x57: {  	_ =	swait.ge [sflag:s10], $0x4000  }
0x58: {  	[sflag:s10] =	ssyncset.done $0x0  }
0x59: {  	[sflag:s10] =	ssyncadd.s32 $0xFFFFC000  }
.LBB2_9:
0x5a: {  	_ =	sfence.sel $0x180000  }
0x5b: {  	[bflag:$0x0] =	sbarrier.arrive $0xFFFF  }
0x5c: {  	p0 =	sne.s32 s0, $0x0;
	_ =	strace $0x90000047  }
0x5d: {  	s0 =	sadd.s32 @!p0 $0x100000, s1;
	[bflag:$0x2] =	sbarrier.arrive $0xFFFF  }
0x5e: {  	[sflag:s0] =	ssyncadd.tile.s32 @!p0 $0x1;
	_ =	shalt  }
.Lfunc_end2:
_tile_overlayer_lowered:
.L_overlay_start_2:
0x5f: {  	(tag) =	ssettag $0x2  }
0x60: {  	s0 =	rddreg [dreg:$0x0];
	s2 =	stileid.u32  }
0x61: {  	s1 =	rddreg [dreg:$0x1];
	p0 =	sne.s32 s2, $0x0  }
0x62: {  	s3 =	rddreg [dreg:$0x2];
	[bflag:$0x3] =	sbarrier.arrive $0xFFFF;
	s2 =	simm.s32 @!p0 $0x1C02  }
0x63: {  	[timem:s3], [sflag:s2] =	dma.local @!p0 [hbm:s0], s1  }
0x64: {  	s0 =	simm.s32 @!p0 $0x2  }
0x65: {  	_ =	swait.ge @!p0 [sflag:s0], s1  }
0x66: {  	s1 =	ssub.s32 @!p0 $0x0, s1;
	[sflag:s0] =	ssyncset.done @!p0 $0x0  }
0x67: {  	[sflag:s0] =	ssyncadd.s32 @!p0 s1  }
0x68: {  	[bflag:$0x3] =	sbarrier.arrive $0xFFFF  }
0x69: {  	_ =	shalt  }

// kernel: kernel.16.cloned.1.call-start
scs
__scs_entry_jumppad:
0x0: {  	(pc) =	sbr.rel $0x88, $3  }
0x1: {  	(tag) =	ssettag $0x0;
	lr =	simm.s32 $0x1  }
0x2: {  	[smem:$0x3F93] =	sst lr;
	_ =	strace $0xD0000000  }
0x3: {  	_ = 	snop  }
0x4: {  	_ = 	snop  }
0x5: {  	_ = 	snop  }
0x6: {  	_ = 	snop  }
0x7: {  	_ = 	snop  }
__scs_overlays_trampoline_lowered:
0x8: {  	[smem:$0x3FA2] =	sst s0  }
0x9: {  	[smem:$0x3FA3] =	sst s1  }
0xa: {  	[smem:$0x3FA4] =	sst s2  }
0xb: {  	[smem:$0x3FA5] =	sst s3  }
0xc: {  	[smem:$0x3FA6] =	sst s4  }
0xd: {  	[smem:$0x3FA7] =	sst s5  }
0xe: {  	[smem:$0x3FA8] =	sst s6  }
0xf: {  	[smem:$0x3FA9] =	sst s7  }
0x10: {  	[smem:$0x3FAA] =	sst s8  }
0x11: {  	[smem:$0x3FAB] =	sst s9;
	s0 =	simm.s32 @!p0 $0x0  }
0x12: {  	s1 =	sld [smem:$0x3F91];
	s0 =	simm.s32 @p0 $0x1  }
0x13: {  	[smem:$0x3FAC] =	sst s0;
	s0 =	simm.s32 @!p1 $0x0  }
0x14: {  	s2 =	sld [smem:$0x3F90];
	s0 =	simm.s32 @p1 $0x1  }
0x15: {  	[smem:$0x3FAD] =	sst s0;
	s0 =	simm.s32 @!p2 $0x0  }
0x16: {  	s3 =	sld [smem:$0x3FDB];
	s0 =	simm.s32 @p2 $0x1  }
0x17: {  	s4 =	simm.s32 $0x1BF5;
	[smem:$0x3FAF] =	sst s0  }
0x18: {  	s0 =	sld [smem:$0x3F92];
	_ =	swait.ge [sflag:s4], $0x0  }
0x19: {  	s7 =	sld [smem:$0x3F93]  }
0x1a: {  	s8 =	sadd.s32 $0xFFFFE003, lr  }
0x1b: {  	s9 =	sadd.s32 $0xFFFFFEF7, lr;
	s5 =	simm.s32 $0xFFFFFFFF;
	p2 =	slt.u32 s8, $0xFFFFF086  }
0x1c: {  	p1 =	slt.u32 s9, $0xF7A;
	s5 =	simm.s32 @!p2 $0x0  }
0x1d: {  	s5 =	simm.s32 @p1 $0x1;
	p0 =	seq.s32 s7, s2  }
0x1e: {  	s7 =	smul.u32 @!p0 $0xF7A, s2;
	p2 =	seq.s32 @!p0 s5, $0x0  }
0x1f: {  	s9 =	smul.u32 $0xF7A, s1;
	s8 =	simm.s32 @!p0 $0x1BF5;
	p2 =	por !p2, p0  }
0x20: {  	[sflag:s8] =	ssyncset.s32 @!p0 $0xFFFFF086;
	s6 =	sadd.s32 @!p0 s3, s7;
	s7 =	simm.s32 @!p0 $0x108  }
0x21: {  	s3 =	sadd.s32 s3, s9;
	s6 =	sadd.s32 @!p0 $0x88, s6;
	s7 =	simm.s32 @p2 $0x1082  }
0x22: {  	[simem:s7], [sflag:s8] =	dma.local @!p0 [hbm:s6], $0xF7A  }
0x23: {  	s9 =	sor.u32 $0xD0000000, s2;
	s6 =	simm.s32 $0x108;
	_ =	swait.ge @!p0 [sflag:s8], $0x0  }
0x24: {  	s3 =	sadd.s32 $0x88, s3;
	s6 =	simm.s32 @!p1 $0x1082;
	[sflag:s4] =	ssyncset.s32 $0xFFFFF086  }
0x25: {  	[simem:s6], [sflag:s4] =	dma.local [hbm:s3], $0xF7A  }
0x26: {  	[smem:$0x3F93] =	sst s1;
	(tag) =	ssettag s2;
	_ =	strace s9  }
0x27: {  	s1 =	sld [smem:$0x3FA3]  }
0x28: {  	s2 =	sld [smem:$0x3FA4]  }
0x29: {  	s4 =	sld [smem:$0x3FA6]  }
0x2a: {  	p0 =	seq.s32 s5, $0x0;
	s5 =	sld [smem:$0x3FA7]  }
0x2b: {  	s6 =	sld [smem:$0x3FA8]  }
0x2c: {  	s7 =	sld [smem:$0x3FA9]  }
0x2d: {  	s3 =	simm.s32 $0x108;
	s8 =	sld [smem:$0x3FAA]  }
0x2e: {  	s3 =	simm.s32 @!p0 $0x1082;
	s9 =	sld [smem:$0x3FAB]  }
0x2f: {  	lr =	sadd.s32 s0, s3;
	s0 =	sld [smem:$0x3FA2]  }
0x30: {  	s3 =	sld [smem:$0x3FA5]  }
0x31: {  	[smem:$0x3FAE] =	sst s10  }
0x32: {  	s10 =	sld [smem:$0x3FAC];
	_ =	sdelay $0x3  }
0x33: {  	p0 =	seq.s32 s10, $0x1;
	s10 =	sld [smem:$0x3FAE];
	_ =	sdelay $0x3  }
0x34: {  	[smem:$0x3FAE] =	sst s10  }
0x35: {  	s10 =	sld [smem:$0x3FAD];
	_ =	sdelay $0x3  }
0x36: {  	p1 =	seq.s32 s10, $0x1;
	s10 =	sld [smem:$0x3FAE];
	_ =	sdelay $0x3  }
0x37: {  	[smem:$0x3FAE] =	sst s10  }
0x38: {  	s10 =	sld [smem:$0x3FAF]  }
0x39: {  	_ = 	snop;
	(pc) =	sbr.ind lr, $3  }
0x3a: {  	_ = 	snop  }
0x3b: {  	_ = 	snop  }
0x3c: {  	p2 =	seq.s32 s10, $0x1;
	s10 =	sld [smem:$0x3FAE]  }
0x3d: {  	_ =	shalt  }
0x3e: {  	_ =	shalt  }
0x3f: {  	_ =	shalt  }
0x40: {  	_ =	shalt  }
0x41: {  	_ =	shalt  }
0x42: {  	_ =	shalt  }
0x43: {  	_ =	shalt  }
0x44: {  	_ =	shalt  }
0x45: {  	_ =	shalt  }
0x46: {  	_ =	shalt  }
0x47: {  	_ =	shalt  }
0x48: {  	_ =	shalt  }
0x49: {  	_ =	shalt  }
0x4a: {  	_ =	shalt  }
0x4b: {  	_ =	shalt  }
0x4c: {  	_ =	shalt  }
0x4d: {  	_ =	shalt  }
0x4e: {  	_ =	shalt  }
0x4f: {  	_ =	shalt  }
0x50: {  	_ =	shalt  }
0x51: {  	_ =	shalt  }
0x52: {  	_ =	shalt  }
0x53: {  	_ =	shalt  }
0x54: {  	_ =	shalt  }
0x55: {  	_ =	shalt  }
0x56: {  	_ =	shalt  }
0x57: {  	_ =	shalt  }
0x58: {  	_ =	shalt  }
0x59: {  	_ =	shalt  }
0x5a: {  	_ =	shalt  }
0x5b: {  	_ =	shalt  }
0x5c: {  	_ =	shalt  }
0x5d: {  	_ =	shalt  }
0x5e: {  	_ =	shalt  }
0x5f: {  	_ =	shalt  }
0x60: {  	_ =	shalt  }
0x61: {  	_ =	shalt  }
0x62: {  	_ =	shalt  }
0x63: {  	_ =	shalt  }
0x64: {  	_ =	shalt  }
0x65: {  	_ =	shalt  }
0x66: {  	_ =	shalt  }
0x67: {  	_ =	shalt  }
0x68: {  	_ =	shalt  }
0x69: {  	_ =	shalt  }
0x6a: {  	_ =	shalt  }
0x6b: {  	_ =	shalt  }
0x6c: {  	_ =	shalt  }
0x6d: {  	_ =	shalt  }
0x6e: {  	_ =	shalt  }
0x6f: {  	_ =	shalt  }
0x70: {  	_ =	shalt  }
0x71: {  	_ =	shalt  }
0x72: {  	_ =	shalt  }
0x73: {  	_ =	shalt  }
0x74: {  	_ =	shalt  }
0x75: {  	_ =	shalt  }
0x76: {  	_ =	shalt  }
0x77: {  	_ =	shalt  }
0x78: {  	_ =	shalt  }
0x79: {  	_ =	shalt  }
0x7a: {  	_ =	shalt  }
0x7b: {  	_ =	shalt  }
0x7c: {  	_ =	shalt  }
0x7d: {  	_ =	shalt  }
0x7e: {  	_ =	shalt  }
0x7f: {  	_ =	shalt  }
0x80: {  	_ =	shalt  }
0x81: {  	_ =	shalt  }
0x82: {  	_ =	shalt  }
0x83: {  	_ =	shalt  }
0x84: {  	_ =	shalt  }
0x85: {  	_ =	shalt  }
0x86: {  	_ =	shalt  }
0x87: {  	_ =	shalt  }
.Lfunc_end0:
.L_simem_size_0:
called_computation.2_lowered:
.L_overlay_start_0:
0x88: {  	s2 =	sld [smem:$0x3FD9]  }
0x89: {  	s3 =	sld [smem:$0x3FFE];
	_ =	sdelay $0x1  }
0x8a: {  	s1 =	srdreg.scid  }
0x8b: {  	s0 =	sand.u32 $0x1, s1  }
0x8c: {  	s17 =	sshll.u32 s0, $0xA;
	s2 =	sadd.s32 s3, s2  }
0x8d: {  	s2 =	sadd.s32 s2, s17  }
0x8e: {  	[smem:$0x3FBA] =	sst s2  }
0x8f: {  	_ = 	snop  }
0x90: {  	s18 =	sld [smem:$0x3FD0];
	(tm) =	ssettm $0x1  }
0x91: {  	s19 =	sld [smem:$0x3FFB];
	_ =	sdelay $0x3  }
0x92: {  	_ =	strace s19  }
0x93: {  	s2 =	sld [smem:$0x3FFC];
	_ =	sdelay $0x3  }
0x94: {  	_ =	strace s2  }
0x95: {  	s2 =	sld [smem:$0x3FFD];
	_ =	sdelay $0x3  }
0x96: {  	_ =	strace s2  }
0x97: {  	_ =	strace $0x8FFFFFFF  }
0x98: {  	s20 =	sld [smem:$0x3FDB];
	_ =	sdelay $0x1  }
0x99: {  	s4 =	simm.s32 $_scs_section_size  }
0x9a: {  	s5 =	simm.s32 $_size__tile_overlayer_lowered;
	s6 =	simm.s32 $_tile_overlayer_lowered  }
0x9b: {  	s7 =	simm.s32 $0x1BFF;
	s21 =	sshll.u32 s6, $0x1;
	s4 =	sadd.s32 s4, s20  }
0x9c: {  	s22 =	simm.s32 $0x0;
	s5 =	sshll.u32 s5, $0x1;
	s6 =	sadd.s32 s21, s4  }
0x9d: {  	[timem:s22], [sflag:s7] =	dma.local [hbm:s6], s5  }
0x9e: {  	_ =	swait.ge [sflag:s7], s5  }
0x9f: {  	s5 =	ssub.s32 $0x0, s5;
	[sflag:s7] =	ssyncset.done $0x0  }
0xa0: {  	[sflag:s7] =	ssyncadd.s32 s5;
	_ =	sdelay $0x1  }
0xa1: {  	s23 =	simm.s32 $0x1B8B  }
0xa2: {  	_ =	swait.ge [sflag:s23], $0x1  }
0xa3: {  	[sflag:s23] =	ssyncset.done $0x0  }
0xa4: {  	[sflag:s23] =	ssyncadd.s32 $0xFFFFFFFF  }
0xa5: {  	s5 =	sld [smem:$0x0]  }
0xa6: {  	s6 =	sand.u32 $0xFFFFFFFE, s1  }
0xa7: {  	p0 =	sne.s32 s1, s6  }
0xa8: {  	s6 =	sshll.u32 @p0 s6, $0xE  }
0xa9: {  	s6 =	sadd.s32 @p0 $0x11B8D, s6;
	s7 =	sshll.u32 @p0 s5, $0x11  }
0xaa: {  	s6 =	sor.u32 @p0 s7, s6  }
0xab: {  	[sflag:s6] =	ssyncadd.remote.s32 @p0 $0x1;
	_ =	sdelay $0x1  }
0xac: {  	s6 =	simm.s32 @p0 $0x1B8D  }
0xad: {  	_ =	swait.eq @p0 [sflag:s6], $0x1  }
0xae: {  	[sflag:s6] =	ssyncadd.s32 @p0 $0xFFFFFFFF  }
0xaf: {  	s7 =	sshll.u32 @!p0 s1, $0xE  }
0xb0: {  	s7 =	sor.u32 @!p0 $0x4000, s7;
	s6 =	simm.s32 @!p0 $0x1B8D  }
0xb1: {  	s5 =	sshll.u32 @!p0 s5, $0x11;
	s7 =	sadd.s32 @!p0 $0x11B8D, s7;
	_ =	swait.eq @!p0 [sflag:s6], $0x1  }
0xb2: {  	s5 =	sor.u32 @!p0 s5, s7;
	[sflag:s6] =	ssyncadd.s32 @!p0 $0xFFFFFFFF  }
0xb3: {  	s25 =	simm.s32 $0x1B8E;
	s24 =	sld [smem:$0x3FFE];
	[sflag:s5] =	ssyncadd.remote.s32 @!p0 $0x1  }
0xb4: {  	s26 =	simm.s32 $execute0_lowered;
	[smem:$0x3FD2] =	sst s25  }
0xb5: {  	s6 =	sshll.u32 s26, $0x1;
	_ =	strace $0x8000004C;
	[dreg:$0x1] =	wrdreg $0xFFFFFFFF  }
0xb6: {  	s28 =	simm.s32 $_size_execute0_lowered;
	s4 =	sadd.s32 s4, s6;
	[dreg:$0x0] =	wrdreg $0x0  }
0xb7: {  	s6 =	sshll.u32 s28, $0x1;
	[dreg:$0x2] =	wrdreg s4  }
0xb8: {  	[dreg:$0x3] =	wrdreg s6  }
0xb9: {  	[dreg:$0x4] =	wrdreg $0xC0  }
0xba: {  	_ =	task [dreg:s22], $0x5FFFF  }
0xbb: {  	[dreg:$0x1] =	wrdreg $0xFFFFFFFF  }
0xbc: {  	[dreg:$0x0] =	wrdreg $0x60  }
0xbd: {  	[dreg:$0x2] =	wrdreg s24  }
0xbe: {  	[dreg:$0x3] =	wrdreg s18  }
0xbf: {  	[dreg:$0x4] =	wrdreg $0xA0000  }
0xc0: {  	[dreg:$0x5] =	wrdreg $0xA  }
0xc1: {  	_ =	task.clear_ibuf [dreg:s22], $0x6FFFF;
	_ =	strace $0x9000004C  }
0xc2: {  	s29 =	simm.s32 $0xA;
	_ =	strace $0x8000004E  }
0xc3: {  	_ =	swait.ge [sflag:s29], $0x1  }
0xc4: {  	[sflag:s29] =	ssyncadd.s32 $0xFFFFFFFF  }
0xc5: {  	_ =	strace $0x9000004E  }
0xc6: {  	_ =	sfence  }
0xc7: {  	s30 =	sld [smem:$0x0];
	_ =	sdelay $0x2  }
0xc8: {  	s31 =	sshll.u32 s1, $0xD;
	s1 =	sshrl.u32 s1, $0x2  }
0xc9: {  	s4 =	sand.u32 $0x4000, s31;
	s1 =	sadd.s32 s1, s30  }
0xca: {  	s0 =	sor.u32 s4, s0;
	s1 =	sshll.u32 s1, $0x11  }
0xcb: {  	s0 =	sor.u32 s1, s0  }
0xcc: {  	s0 =	sadd.s32 $0x8F2B, s0  }
0xcd: {  	[sflag:s0] =	ssyncadd.remote.s32 $0x1  }
0xce: {  	_ =	sfence.sel $0xFFFF  }
0xcf: {  	[dreg:$0x0] =	wrdreg $0xFFFFFFFF;
	(pc) =	sbr.abs _section_cstart, $3  }
0xd0: {  	[dreg:$0x1] =	wrdreg $0xFFFFFFFF  }
0xd1: {  	_ =	task.clear_ibuf [dreg:s22], $0x2FFFF;
	_ =	strace $0x9FFFFFFF  }
0xd2: {  	(tm) =	ssettm $0x7FFFFFFF  }
0xd3: {  	_ =	shalt  }
tec
execute0_lowered:
.L_overlay_start_1:
0x0: {  	(tag) =	ssettag $0x1  }
0x1: {  	s5 =	rddreg [dreg:$0x0]  }
0x2: {  	s0 =	srdreg.scid;
	s9 =	rddreg [dreg:$0x1]  }
0x3: {  	s2 =	rddreg [dreg:$0x2];
	s3 =	simm.s32 $0x0;
	s15 =	simm.s32 $0x6000  }
0x4: {  	s16 =	simm.s32 $0x1;
	s8 =	sand.u32 $0x1, s0;
	s0 =	stileid.u32  }
0x5: {  	s17 =	simm.s32 $0x0;
	[smem:$0x7FF] =	sst s3;
	s7 =	smul.u32 $0x140000, s8  }
0x6: {  	s1 =	sxor.u32 $0x1, s8;
	s12 =	sshll.u32 s0, $0x6;
	s11 =	smul.u32 $0x14000, s0  }
0x7: {  	s30 =	ssub.s32 $0x2, s8;
	s14 =	smul.u32 $0x50000, s0;
	p0 =	seq.s32 s8, $0x1  }
0x8: {  	s1 =	smul.u32 s1, s0;
	s6 =	sadd.s32 $0x600, s12;
	s13 =	sshrl.u32 s30, $0x1  }
0x9: {  	s12 =	sor.u32 $0x1C02, s12;
	s6 =	smul.u32 s8, s6;
	s13 =	ssub.s32 s30, s13  }
0xa: {  	s11 =	sadd.s32 s11, s7;
	s31 =	sshrl.u32 s14, $0x2;
	s4 =	smul.u32 $0x60, s1  }
0xb: {  	s1 =	rddreg [dreg:$0x3];
	_ =	strace $0x8000004D;
	s11 =	sshrl.u32 s11, $0x3  }
.Ltmp0:
0xc: {  	s14 =	sadd.s32 s31, s2;
	s8 =	sadd.s32 s9, s11;
	(pc) =	sbr.rel .LBB2_1-.Ltmp0, $4  }
0xd: {  	s9 =	smax.u32 s13, $0x1;
	s11 =	simm.s32 $0x3000;
	s6 =	sadd.s32 s4, s6  }
0xe: {  	s13 =	sshrl.u32 s14, $0x3;
	s14 =	simm.s32 $0x80;
	s6 =	sshll.u32 s6, $0x4  }
0xf: {  	s4 =	sadd.s32 $0x16C00, s5;
	s10 =	sadd.s32 s6, s5;
	s5 =	sadd.s32 $0x3DE00, s5  }
0x10: {  	s6 =	sadd.s32 $0xCA00, s10;
	s7 =	sadd.s32 $0x2800, s10;
	s10 =	simm.s32 $0x2  }
.LBB2_7:
0x11: {  	s18 =	sshra.s32 s18, $0x2;
	[sflag:s10] =	ssyncadd.s32 $0xFFFFC000  }
0x12: {  	[tilespmem:s15], [sflag:$0x1] =	stream.indirect.gather [hbm4b:s4+s14], $0x80, s18, s14, $0xb8;
	[tilespmem:$0x1E000] =	vst v63  }
0x13: {  	_ =	swait.ge [sflag:s16], $0x4000  }
0x14: {  	[sflag:s16] =	ssyncset.done $0x0  }
0x15: {  	s18 =	sadd.s32 $0x3000, s18;
	[sflag:s16] =	ssyncadd.s32 $0xFFFFC000  }
0x16: {  	[spmem:s2] =	stream.indirect.scatter.add.f32 [tilespmem:s15], [sflag:$0x2], $0x80, s18, s14, $0xb8;
	[tilespmem:$0x1E000] =	vst v63  }
0x17: {  	_ =	swait.ge [sflag:s10], $0x4000  }
0x18: {  	[sflag:s10] =	ssyncset.done $0x0  }
0x19: {  	[sflag:s10] =	ssyncadd.s32 $0xFFFFC000  }
.LBB2_8:
0x1a: {  	s17 =	sadd.s32 $0x1, s17  }
0x1b: {  	p1 =	sne.s32 s17, s9  }
.Ltmp1:
0x1c: {  	[bflag:$0x0] =	sbarrier.arrive $0xFFFF;
	(pc) =	sbr.rel @!p1 .LBB2_9-.Ltmp1, $4  }
0x1d: {  	[hbm:s8], [sflag:s12] =	dma.local [spmem:s13], $0x2800  }
0x1e: {  	_ =	swait.ge [sflag:s10], $0x2800  }
0x1f: {  	[sflag:s10] =	ssyncset.done $0x0  }
0x20: {  	[sflag:s10] =	ssyncadd.s32 $0xFFFFD800  }
.LBB2_1:
0x21: {  	[tilespmem:s3], [sflag:$0x2] =	stream.linear.gather [hbm4b:s6+s3], $0x3000, $0x38;
	[tilespmem:$0x1E000] =	vst v63  }
0x22: {  	_ =	swait.ge [sflag:s10], $0x3000  }
0x23: {  	[sflag:s10] =	ssyncset.done $0x0  }
0x24: {  	[sflag:s10] =	ssyncadd.s32 $0xFFFFD000  }
0x25: {  	[tilespmem:s11], [sflag:$0x2] =	stream.linear.gather [hbm4b:s7+s3], $0x3000, $0x38;
	[tilespmem:$0x1E000] =	vst v63  }
0x26: {  	_ =	swait.ge [sflag:s10], $0x3000  }
0x27: {  	[sflag:s10] =	ssyncset.done $0x0  }
0x28: {  	[sflag:s10] =	ssyncadd.s32 $0xFFFFD000  }
0x29: {  	[spmem:s13], [sflag:s12] =	dma.local [hbm:s5], $0x2800  }
.Ltmp2:
0x2a: {  	_ =	swait.ge [sflag:s10], $0x2800;
	(pc) =	sbr.rel @!p0 .LBB2_2-.Ltmp2, $4  }
0x2b: {  	[sflag:s10] =	ssyncset.done $0x0  }
0x2c: {  	[sflag:s10] =	ssyncadd.s32 $0xFFFFD800  }
0x2d: {  	[bflag:$0x0] =	sbarrier.arrive $0xFFFF  }
0x2e: {  	s18 =	simm.s32 $0x0  }
0x2f: {  	[tilespmem:s15], [sflag:$0x1] =	stream.indirect.gather [hbm4b:s4+s14], $0x80, s18, s14, $0xb8;
	[tilespmem:$0x1E000] =	vst v63  }
0x30: {  	_ =	swait.ge [sflag:s16], $0x4000  }
0x31: {  	[sflag:s16] =	ssyncset.done $0x0  }
0x32: {  	s31 =	simm.s32 $0x3000;
	[sflag:s16] =	ssyncadd.s32 $0xFFFFC000  }
0x33: {  	[spmem:s2] =	stream.indirect.scatter.add.f32 [tilespmem:s15], [sflag:$0x2], $0x80, s31, s14, $0xb8;
	[tilespmem:$0x1E000] =	vst v63  }
0x34: {  	_ =	swait.ge [sflag:s10], $0x4000  }
0x35: {  	s18 =	simm.s32 $0x200;
	s19 =	simm.s32 $0x400;
	[sflag:s10] =	ssyncset.done $0x0  }
.LBB2_6:
0x36: {  	s20 =	sshra.s32 s18, $0x2  }
0x37: {  	[sflag:s10] =	ssyncadd.s32 $0xFFFFC000;
	s18 =	smov.u32 s19;
	s21 =	sadd.s32 $0x200, s19  }
0x38: {  	[tilespmem:s15], [sflag:$0x1] =	stream.indirect.gather [hbm4b:s4+s14], $0x80, s20, s14, $0xb8;
	[tilespmem:$0x1E000] =	vst v63  }
0x39: {  	p1 =	sne.s32 s19, $0x7E00;
	_ =	swait.ge [sflag:s16], $0x4000  }
.Ltmp3:
0x3a: {  	[sflag:s16] =	ssyncset.done $0x0;
	(pc) =	sbr.rel @p1 .LBB2_6-.Ltmp3, $4  }
0x3b: {  	s19 =	sadd.s32 $0x3000, s20;
	[sflag:s16] =	ssyncadd.s32 $0xFFFFC000  }
0x3c: {  	[spmem:s2] =	stream.indirect.scatter.add.f32 [tilespmem:s15], [sflag:$0x2], $0x80, s19, s14, $0xb8;
	[tilespmem:$0x1E000] =	vst v63  }
0x3d: {  	_ =	swait.ge [sflag:s10], $0x4000  }
0x3e: {  	s19 =	smov.u32 s21;
	[sflag:s10] =	ssyncset.done $0x0  }
.Ltmp4:
0x3f: {  	_ = 	snop;
	(pc) =	sbr.rel .LBB2_7-.Ltmp4, $1  }
0x40: {  	_ =	sdelay $0x3  }
.LBB2_2:
0x41: {  	[tilespmem:s15], [sflag:$0x1] =	stream.indirect.gather [hbm4b:s4+s14], $0x80, s18, s14, $0xb8;
	[tilespmem:$0x1E000] =	vst v63  }
0x42: {  	_ =	swait.ge [sflag:s16], $0x4000  }
0x43: {  	[sflag:s16] =	ssyncset.done $0x0  }
0x44: {  	s31 =	simm.s32 $0x3000;
	[sflag:s16] =	ssyncadd.s32 $0xFFFFC000  }
0x45: {  	[spmem:s2] =	stream.indirect.scatter.add.f32 [tilespmem:s15], [sflag:$0x2], $0x80, s31, s14, $0xb8;
	[tilespmem:$0x1E000] =	vst v63  }
0x46: {  	_ =	swait.ge [sflag:s10], $0x4000  }
0x47: {  	s18 =	simm.s32 $0x200;
	s19 =	simm.s32 $0x400;
	[sflag:s10] =	ssyncset.done $0x0  }
.LBB2_3:
0x48: {  	s20 =	sshra.s32 s18, $0x2  }
0x49: {  	[sflag:s10] =	ssyncadd.s32 $0xFFFFC000;
	s18 =	smov.u32 s19;
	s21 =	sadd.s32 $0x200, s19  }
0x4a: {  	[tilespmem:s15], [sflag:$0x1] =	stream.indirect.gather [hbm4b:s4+s14], $0x80, s20, s14, $0xb8;
	[tilespmem:$0x1E000] =	vst v63  }
0x4b: {  	p1 =	seq.s32 s19, $0xBE00;
	_ =	swait.ge [sflag:s16], $0x4000  }
.Ltmp5:
0x4c: {  	[sflag:s16] =	ssyncset.done $0x0;
	(pc) =	sbr.rel @!p1 .LBB2_3-.Ltmp5, $4  }
0x4d: {  	s19 =	sadd.s32 $0x3000, s20;
	[sflag:s16] =	ssyncadd.s32 $0xFFFFC000  }
0x4e: {  	[spmem:s2] =	stream.indirect.scatter.add.f32 [tilespmem:s15], [sflag:$0x2], $0x80, s19, s14, $0xb8;
	[tilespmem:$0x1E000] =	vst v63  }
0x4f: {  	_ =	swait.ge [sflag:s10], $0x4000  }
0x50: {  	s19 =	smov.u32 s21;
	[sflag:s10] =	ssyncset.done $0x0  }
0x51: {  	s18 =	sshra.s32 s18, $0x2;
	[sflag:s10] =	ssyncadd.s32 $0xFFFFC000  }
0x52: {  	[tilespmem:s15], [sflag:$0x1] =	stream.indirect.gather [hbm4b:s4+s14], $0x80, s18, s14, $0xb8;
	[tilespmem:$0x1E000] =	vst v63  }
0x53: {  	_ =	swait.ge [sflag:s16], $0x4000  }
0x54: {  	[sflag:s16] =	ssyncset.done $0x0  }
.Ltmp6:
0x55: {  	s18 =	sadd.s32 $0x3000, s18;
	[sflag:s16] =	ssyncadd.s32 $0xFFFFC000;
	(pc) =	sbr.rel .LBB2_8-.Ltmp6, $4  }
0x56: {  	[spmem:s2] =	stream.indirect.scatter.add.f32 [tilespmem:s15], [sflag:$0x2], $0x80, s18, s14, $0xb8;
	[tilespmem:$0x1E000] =	vst v63  }
0x57: {  	_ =	swait.ge [sflag:s10], $0x4000  }
0x58: {  	[sflag:s10] =	ssyncset.done $0x0  }
0x59: {  	[sflag:s10] =	ssyncadd.s32 $0xFFFFC000  }
.LBB2_9:
0x5a: {  	_ =	sfence.sel $0x180000  }
0x5b: {  	[bflag:$0x0] =	sbarrier.arrive $0xFFFF  }
0x5c: {  	p0 =	sne.s32 s0, $0x0;
	_ =	strace $0x9000004D  }
0x5d: {  	s0 =	sadd.s32 @!p0 $0x100000, s1;
	[bflag:$0x2] =	sbarrier.arrive $0xFFFF  }
0x5e: {  	[sflag:s0] =	ssyncadd.tile.s32 @!p0 $0x1;
	_ =	shalt  }
.Lfunc_end2:
_tile_overlayer_lowered:
.L_overlay_start_2:
0x5f: {  	(tag) =	ssettag $0x2  }
0x60: {  	s0 =	rddreg [dreg:$0x0];
	s2 =	stileid.u32  }
0x61: {  	s1 =	rddreg [dreg:$0x1];
	p0 =	sne.s32 s2, $0x0  }
0x62: {  	s3 =	rddreg [dreg:$0x2];
	[bflag:$0x3] =	sbarrier.arrive $0xFFFF;
	s2 =	simm.s32 @!p0 $0x1C02  }
0x63: {  	[timem:s3], [sflag:s2] =	dma.local @!p0 [hbm:s0], s1  }
0x64: {  	s0 =	simm.s32 @!p0 $0x2  }
0x65: {  	_ =	swait.ge @!p0 [sflag:s0], s1  }
0x66: {  	s1 =	ssub.s32 @!p0 $0x0, s1;
	[sflag:s0] =	ssyncset.done @!p0 $0x0  }
0x67: {  	[sflag:s0] =	ssyncadd.s32 @!p0 s1  }
0x68: {  	[bflag:$0x3] =	sbarrier.arrive $0xFFFF  }
0x69: {  	_ =	shalt  }

</sc_bundles>
